<compile_context>
chip_gen: v7x
topology: tpu7x:2x2x1
jax: 0.10.2.dev20260603
libtpu: 0.0.44.dev20260713+nightly
codegen_flags: <defaults>
</compile_context>

<pallas_src>
import functools

import jax
import jax.numpy as jnp
from jax import lax
from jax.experimental import pallas as pl
from jax.experimental.pallas import tpu as pltpu
from jax.experimental.pallas import tpu_sc as plsc

_NC = 2
_NS = 16
_NW = _NC * _NS

_D = 128
_EB = 3200


def _node_matmul(x, wT, interpret=False):
    n, d = x.shape

    def body(x_ref, w_ref, o_ref):
        o_ref[...] = jnp.dot(x_ref[...], w_ref[...],
                             preferred_element_type=jnp.float32)

    return pl.pallas_call(
        body,
        out_shape=jax.ShapeDtypeStruct((n, wT.shape[1]), jnp.float32),
        interpret=interpret,
    )(x, wT)


def _sc_gather_rows(table, idx):
    n, d = table.shape
    e = idx.shape[0]
    big = 384
    nsub = big // 128
    per_w = e // _NW
    steps = per_w // big
    rem = per_w - steps * big
    n128 = rem // 128
    tail = rem - n128 * 128
    mesh = plsc.VectorSubcoreMesh(core_axis_name="c", subcore_axis_name="s")

    @functools.partial(
        pl.kernel,
        out_type=jax.ShapeDtypeStruct((e, d), jnp.float32),
        mesh=mesh,
        scratch_types=[
            pltpu.VMEM((big,), jnp.int32),
            pltpu.VMEM((big,), jnp.int32),
            pltpu.VMEM((128,), jnp.int32),
            pltpu.VMEM((big, d), jnp.float32),
            pltpu.VMEM((big, d), jnp.float32),
            pltpu.SemaphoreType.DMA,
            pltpu.SemaphoreType.DMA,
            pltpu.SemaphoreType.DMA,
            pltpu.SemaphoreType.DMA,
        ],
    )
    def k(table_hbm, idx_hbm, out_hbm, ia, ib, idxt_v, ra, rb,
          semi0, semi1, semw0, semw1):
        idxv = [ia, ib]
        rowsv = [ra, rb]
        semi = [semi0, semi1]
        semw = [semw0, semw1]
        cid = lax.axis_index("c")
        sid = lax.axis_index("s")
        wid = sid * _NC + cid
        base0 = wid * per_w

        for b in (0, 1):
            pltpu.async_copy(idx_hbm.at[pl.ds(base0 + big * b, big)],
                             idxv[b], semi[b])

        @pl.loop(0, steps // 2)
        def _(pit):
            for b in (0, 1):
                k2 = 2 * pit + b
                pltpu.make_async_copy(idx_hbm.at[pl.ds(base0, big)],
                                      idxv[b], semi[b]).wait()

                @pl.when(k2 >= 2)
                def _():
                    pltpu.make_async_copy(
                        rowsv[b], out_hbm.at[pl.ds(base0, big)],
                        semw[b]).wait()

                hs = [
                    pltpu.async_copy(
                        table_hbm.at[idxv[b].at[pl.ds(128 * j, 128)]],
                        rowsv[b].at[pl.ds(128 * j, 128)], semi[b])
                    for j in range(nsub)
                ]
                for h in hs:
                    h.wait()
                base = base0 + k2 * big
                pltpu.async_copy(rowsv[b], out_hbm.at[pl.ds(base, big)],
                                 semw[b])

                @pl.when(k2 + 2 < steps)
                def _():
                    nb = base0 + (k2 + 2) * big
                    pltpu.async_copy(idx_hbm.at[pl.ds(nb, big)], idxv[b],
                                     semi[b])

        for b in (0, 1):
            pltpu.make_async_copy(rowsv[b], out_hbm.at[pl.ds(base0, big)],
                                  semw[b]).wait()

        rbase = base0 + steps * big
        rem_sizes = [128] * n128 + ([tail] if tail else [])
        off = 0
        for sz in rem_sizes:
            pltpu.sync_copy(idx_hbm.at[pl.ds(rbase + off, sz)],
                            idxt_v.at[pl.ds(0, sz)])
            pltpu.async_copy(table_hbm.at[idxt_v.at[pl.ds(0, sz)]],
                             ra.at[pl.ds(0, sz)], semi0).wait()
            pltpu.sync_copy(ra.at[pl.ds(0, sz)],
                            out_hbm.at[pl.ds(rbase + off, sz)])
            off += sz

    return k(table, idx)


def _sc_scatter_add(vals, col, n, zeros_nd):
    e, d = vals.shape
    per_w = e // _NW
    steps = per_w // 128
    etail = per_w - steps * 128
    rpt = (n // _NS) // 8 * 8
    tail = n - 15 * rpt
    mesh = plsc.VectorSubcoreMesh(core_axis_name="c", subcore_axis_name="s")

    @functools.partial(
        pl.kernel,
        out_type=(jax.ShapeDtypeStruct((_NC, n, d), jnp.float32),
                  jax.ShapeDtypeStruct((_NC * n,), jnp.float32)),
        mesh=mesh,
        scratch_types=(
            [pltpu.VMEM((128,), jnp.int32) for _ in range(2)]
            + [pltpu.VMEM((128, d), jnp.float32) for _ in range(2)]
            + [
                pltpu.VMEM((max(etail, 8),), jnp.int32),
                pltpu.VMEM((128,), jnp.float32),
                pltpu.VMEM((tail,), jnp.float32),
                pltpu.VMEM_SHARED((n, d), jnp.float32),
                pltpu.VMEM_SHARED((n,), jnp.float32),
                pltpu.SemaphoreType.DMA,
                pltpu.SemaphoreType.DMA,
            ]
        ),
    )
    def k(vals_hbm, col_hbm, znd_hbm, sums_hbm, cnts_hbm,
          i0, i1, v0, v1, idxt_v, ones_v, cbuf_v,
          acc_s, cnt_s, sem0, sem1):
        idxb = [i0, i1]
        valsb = [v0, v1]
        semb = [sem0, sem1]
        cid = lax.axis_index("c")
        sid = lax.axis_index("s")
        wid = sid * _NC + cid
        r0 = sid * rpt

        for i in range(tail // 16):
            cbuf_v[pl.ds(16 * i, 16)] = jnp.zeros((16,), jnp.float32)
        for i in range(128 // 16):
            ones_v[pl.ds(16 * i, 16)] = jnp.full((16,), 1.0, jnp.float32)

        @pl.when(sid < _NS - 1)
        def _():
            pltpu.sync_copy(znd_hbm.at[pl.ds(r0, rpt)],
                            acc_s.at[pl.ds(r0, rpt)])
            pltpu.sync_copy(cbuf_v.at[pl.ds(0, rpt)],
                            cnt_s.at[pl.ds(r0, rpt)])

        @pl.when(sid == _NS - 1)
        def _():
            pltpu.sync_copy(znd_hbm.at[pl.ds(15 * rpt, tail)],
                            acc_s.at[pl.ds(15 * rpt, tail)])
            pltpu.sync_copy(cbuf_v, cnt_s.at[pl.ds(15 * rpt, tail)])

        plsc.subcore_barrier()

        base0 = wid * per_w

        for b in (0, 1):
            pltpu.async_copy(col_hbm.at[pl.ds(base0 + 128 * b, 128)],
                             idxb[b], semb[b])
            pltpu.async_copy(vals_hbm.at[pl.ds(base0 + 128 * b, 128)],
                             valsb[b], semb[b])

        @pl.loop(0, steps // 2)
        def _(pit):
            for b in (0, 1):
                k2 = 2 * pit + b
                pltpu.make_async_copy(
                    col_hbm.at[pl.ds(base0, 128)], idxb[b], semb[b]).wait()
                pltpu.make_async_copy(
                    vals_hbm.at[pl.ds(base0, 128)], valsb[b],
                    semb[b]).wait()
                pltpu.sync_copy(valsb[b], acc_s.at[idxb[b]], add=True)
                pltpu.sync_copy(ones_v, cnt_s.at[idxb[b]], add=True)

                @pl.when(k2 + 2 < steps)
                def _():
                    nb = base0 + (k2 + 2) * 128
                    pltpu.async_copy(col_hbm.at[pl.ds(nb, 128)], idxb[b],
                                     semb[b])
                    pltpu.async_copy(vals_hbm.at[pl.ds(nb, 128)], valsb[b],
                                     semb[b])

        if etail:
            rbase = base0 + steps * 128
            pltpu.sync_copy(col_hbm.at[pl.ds(rbase, etail)], idxt_v)
            pltpu.sync_copy(vals_hbm.at[pl.ds(rbase, etail)],
                            v0.at[pl.ds(0, etail)])
            pltpu.sync_copy(v0.at[pl.ds(0, etail)], acc_s.at[idxt_v],
                            add=True)
            pltpu.sync_copy(ones_v.at[pl.ds(0, etail)], cnt_s.at[idxt_v],
                            add=True)

        plsc.subcore_barrier()

        @pl.when(sid < _NS - 1)
        def _():
            pltpu.sync_copy(acc_s.at[pl.ds(r0, rpt)],
                            sums_hbm.at[cid, pl.ds(r0, rpt)])
            pltpu.sync_copy(cnt_s.at[pl.ds(r0, rpt)],
                            cbuf_v.at[pl.ds(0, rpt)])
            pltpu.sync_copy(cbuf_v.at[pl.ds(0, rpt)],
                            cnts_hbm.at[pl.ds(cid * n + r0, rpt)])

        @pl.when(sid == _NS - 1)
        def _():
            pltpu.sync_copy(acc_s.at[pl.ds(15 * rpt, tail)],
                            sums_hbm.at[cid, pl.ds(15 * rpt, tail)])
            pltpu.sync_copy(cnt_s.at[pl.ds(15 * rpt, tail)], cbuf_v)
            pltpu.sync_copy(cbuf_v,
                            cnts_hbm.at[pl.ds(cid * n + 15 * rpt, tail)])

    return k(vals, col, zeros_nd)


def _edge_mlp(g, ea, w1bT, b1, interpret=False):
    e, d = ea.shape
    steps = e // _EB

    def body(g_ref, ea_ref, w_ref, b_ref, pre_ref, st_ref, s1_ref, s2_ref):
        i = pl.program_id(0)

        @pl.when(i == 0)
        def _():
            s1_ref[...] = jnp.zeros_like(s1_ref)
            s2_ref[...] = jnp.zeros_like(s2_ref)

        p = g_ref[...] + jnp.dot(ea_ref[...], w_ref[...],
                                 preferred_element_type=jnp.float32) + b_ref[...]
        pre_ref[...] = p.astype(jnp.bfloat16)
        s1_ref[...] += jnp.sum(p, axis=0, keepdims=True)
        s2_ref[...] += jnp.sum(p * p, axis=0, keepdims=True)
        st_ref[0:1, :] = s1_ref[...]
        st_ref[1:2, :] = s2_ref[...]

    return pl.pallas_call(
        body,
        grid=(steps,),
        in_specs=[
            pl.BlockSpec((_EB, d), lambda i: (i, 0)),
            pl.BlockSpec((_EB, d), lambda i: (i, 0)),
            pl.BlockSpec((d, d), lambda i: (0, 0)),
            pl.BlockSpec((1, d), lambda i: (0, 0)),
        ],
        out_specs=[
            pl.BlockSpec((_EB, d), lambda i: (i, 0)),
            pl.BlockSpec((8, d), lambda i: (0, 0)),
        ],
        out_shape=[
            jax.ShapeDtypeStruct((e, d), jnp.bfloat16),
            jax.ShapeDtypeStruct((8, d), jnp.float32),
        ],
        scratch_shapes=[
            pltpu.VMEM((1, d), jnp.float32),
            pltpu.VMEM((1, d), jnp.float32),
        ],
        interpret=interpret,
    )(g, ea, w1bT, b1)


def _bn_silu_edges(pre, stats, e_total, g1, be1, interpret=False):
    e, d = pre.shape
    steps = e // _EB
    inv_e = 1.0 / e_total

    def body(pre_ref, st_ref, g_ref, b_ref, s_ref):
        st = st_ref[...]
        mu = st[0:1, :] * inv_e
        var = st[1:2, :] * inv_e - mu * mu
        rstd = lax.rsqrt(var + 1e-5)
        w = g_ref[...] * rstd
        cc = b_ref[...] - mu * w
        h = pre_ref[...].astype(jnp.float32) * w + cc
        s_ref[...] = h * jax.nn.sigmoid(h)

    return pl.pallas_call(
        body,
        grid=(steps,),
        in_specs=[
            pl.BlockSpec((_EB, d), lambda i: (i, 0)),
            pl.BlockSpec((8, d), lambda i: (0, 0)),
            pl.BlockSpec((1, d), lambda i: (0, 0)),
            pl.BlockSpec((1, d), lambda i: (0, 0)),
        ],
        out_specs=pl.BlockSpec((_EB, d), lambda i: (i, 0)),
        out_shape=jax.ShapeDtypeStruct((e, d), jnp.float32),
        interpret=interpret,
    )(pre, stats, g1, be1)


def _node_mlp(x, sums, cnts, w2aT, w2bT, b2, g2, be2, interpret=False):
    n, d = x.shape
    inv_n = 1.0 / n

    def body(x_ref, su_ref, cn_ref, wa_ref, wb_ref, b_ref, g_ref,
             be_ref, o_ref):
        s = su_ref[0] + su_ref[1]
        cnt = cn_ref[:, 0:1] + cn_ref[:, 1:2]
        agg = s / jnp.maximum(cnt, 1.0)
        p = (jnp.dot(x_ref[...], wa_ref[...],
                     preferred_element_type=jnp.float32)
             + jnp.dot(agg, wb_ref[...], preferred_element_type=jnp.float32)
             + b_ref[...])
        mu = jnp.sum(p, axis=0, keepdims=True) * inv_n
        var = jnp.sum(p * p, axis=0, keepdims=True) * inv_n - mu * mu
        rstd = lax.rsqrt(var + 1e-5)
        h = (p - mu) * rstd * g_ref[...] + be_ref[...]
        o_ref[...] = h * jax.nn.sigmoid(h)

    return pl.pallas_call(
        body,
        out_shape=jax.ShapeDtypeStruct((n, d), jnp.float32),
        interpret=interpret,
    )(x, sums, cnts, w2aT, w2bT, b2, g2, be2)


def kernel(x, edge_index, edge_attr, u, batch, W1, b1, g1, be1, W2, b2, g2,
           be2):
    del u, batch
    n, d = x.shape
    e = edge_index.shape[1]
    row = edge_index[0]
    col = edge_index[1]
    w1aT = jnp.transpose(W1[:, :d])
    w1bT = jnp.transpose(W1[:, d:])
    w2aT = jnp.transpose(W2[:, :d])
    w2bT = jnp.transpose(W2[:, d:])
    b1r = b1.reshape(1, d)
    g1r = g1.reshape(1, d)
    be1r = be1.reshape(1, d)
    b2r = b2.reshape(1, d)
    g2r = g2.reshape(1, d)
    be2r = be2.reshape(1, d)
    zeros_nd = jnp.zeros((n, d), jnp.float32)

    a = _node_matmul(x, w1aT)
    ga = _sc_gather_rows(a, row)
    pre, st = _edge_mlp(ga, edge_attr, w1bT, b1r)
    s = _bn_silu_edges(pre, st, e, g1r, be1r)
    sums, cnts = _sc_scatter_add(s, col, n, zeros_nd)
    cntT = jnp.transpose(cnts.reshape(_NC, n))
    out = _node_mlp(x, sums, cntT, w2aT, w2bT, b2r, g2r, be2r)
    return out

# --- scband reference (transcript-rebuilt; emitter-appended) ---
"""Pipeline reference for scband-node-model-6030134084155 (READ-ONLY COPY).

The authoritative reference and input builder live on the scoring server;
editing this copy changes nothing except your own understanding.
"""

import jax, jax.numpy as jnp
import numpy as np

N = 10000
E = 320000
D = 128

def setup_inputs(seed: int = 0) -> dict:
    key = jax.random.key(seed)
    ks = jax.random.split(key, 8)
    x = jax.random.normal(ks[0], (N, D), dtype=jnp.float32)
    edge_index = jax.random.randint(ks[1], (2, E), 0, N, dtype=jnp.int32)
    edge_attr = jax.random.normal(ks[2], (E, D), dtype=jnp.float32)
    u = jax.random.normal(ks[3], (1, D), dtype=jnp.float32)
    batch = jnp.zeros((N,), dtype=jnp.int32)
    W1 = jax.random.normal(ks[4], (D, 2 * D), dtype=jnp.float32) * 0.02
    b1 = jnp.zeros((D,), dtype=jnp.float32)
    g1 = jnp.ones((D,), dtype=jnp.float32)
    be1 = jnp.zeros((D,), dtype=jnp.float32)
    W2 = jax.random.normal(ks[5], (D, 2 * D), dtype=jnp.float32) * 0.02
    b2 = jnp.zeros((D,), dtype=jnp.float32)
    g2 = jnp.ones((D,), dtype=jnp.float32)
    be2 = jnp.zeros((D,), dtype=jnp.float32)
    return {"x": x, "edge_index": edge_index, "edge_attr": edge_attr, "u": u, "batch": batch,
            "W1": W1, "b1": b1, "g1": g1, "be1": be1, "W2": W2, "b2": b2, "g2": g2, "be2": be2}

def _bn_silu(h, g, b):
    # BatchNorm1d in training mode: batch stats, biased variance, eps=1e-5
    mu = jnp.mean(h, axis=0)
    var = jnp.var(h, axis=0)
    h = (h - mu) / jnp.sqrt(var + 1e-5) * g + b
    return h * jax.nn.sigmoid(h)  # SiLU

def reference(x, edge_index, edge_attr, u, batch, W1, b1, g1, be1, W2, b2, g2, be2):
    row = edge_index[0]
    col = edge_index[1]
    n = x.shape[0]
    # out = cat([x[row], edge_attr], dim=1) -> mlp1
    out = jnp.concatenate([x[row], edge_attr], axis=1)
    out = out @ W1.T + b1
    out = _bn_silu(out, g1, be1)
    # scatter_mean over destination nodes (dim_size = n)
    sums = jax.ops.segment_sum(out, col, num_segments=n)
    counts = jax.ops.segment_sum(jnp.ones((out.shape[0],), dtype=out.dtype), col, num_segments=n)
    agg = sums / jnp.clip(counts, 1.0)[:, None]
    out = jnp.concatenate([x, agg], axis=1)
    out = out @ W2.T + b2
    out = _bn_silu(out, g2, be2)
    return out

if __name__ == "__main__":
    import jax
    _d = setup_inputs()
    print(jax.jit(kernel)(*tuple(_d.values())))

</pallas_src>

<mosaic_0001>
#map = affine_map<(d0, d1) -> (0, 0)>
#map1 = affine_map<(d0, d1) -> (0)>
module attributes {stable_mosaic.version = 14 : i64} {
  func.func @k(%arg0: i32, %arg1: i32, %arg2: memref<10000x128xf32, #tpu.memory_space<hbm>>, %arg3: memref<320000xi32, #tpu.memory_space<hbm>>, %arg4: memref<320000x128xf32, #tpu.memory_space<hbm>>, %arg5: memref<384xi32, #tpu.memory_space<vmem>>, %arg6: memref<384xi32, #tpu.memory_space<vmem>>, %arg7: memref<128xi32, #tpu.memory_space<vmem>>, %arg8: memref<384x128xf32, #tpu.memory_space<vmem>>, %arg9: memref<384x128xf32, #tpu.memory_space<vmem>>, %arg10: memref<!tpu.dma_semaphore, #tpu.memory_space<semaphore_mem>>, %arg11: memref<!tpu.dma_semaphore, #tpu.memory_space<semaphore_mem>>, %arg12: memref<!tpu.dma_semaphore, #tpu.memory_space<semaphore_mem>>, %arg13: memref<!tpu.dma_semaphore, #tpu.memory_space<semaphore_mem>>) attributes {dimension_semantics = [#tpu.dimension_semantics<core_parallel>, #tpu.dimension_semantics<subcore_parallel>], iteration_bounds = array<i64: 2, 16>, scalar_prefetch = 0 : i64, scratch_operands = 9 : i64, tpu.core_type = #tpu.core_type<sc_vector_subcore>, window_params = [{transform_indices = #map}, {transform_indices = #map1}, {transform_indices = #map}]} {
    %mul3A = arith.constant 2 : i32
    %mul3A_0 = arith.muli %arg1, %mul3A : i32
    %add3A = arith.addi %mul3A_0, %arg0 : i32
    %mul3A_1 = arith.constant 10000 : i32
    %mul3A_2 = arith.muli %add3A, %mul3A_1 : i32
    %add3A_3 = arith.constant 0 : i32
    %add3A_4 = arith.addi %mul3A_2, %add3A_3 : i32
    %dma_start3A = tpu.memref_slice %arg3[%add3A_4] : memref<320000xi32, #tpu.memory_space<hbm>> -> memref<384xi32, #tpu.memory_space<hbm>>
    %dma_start3A_5 = tpu.memref_slice %arg3[%add3A_4] : memref<320000xi32, #tpu.memory_space<hbm>> -> memref<384xi32, #tpu.memory_space<hbm>>
    tpu.enqueue_dma source(%dma_start3A_5 : memref<384xi32, #tpu.memory_space<hbm>>) target(%arg5 : memref<384xi32, #tpu.memory_space<vmem>>) target_semaphore(%arg10 : memref<!tpu.dma_semaphore, #tpu.memory_space<semaphore_mem>>)
    %add3A_6 = arith.constant 384 : i32
    %add3A_7 = arith.addi %mul3A_2, %add3A_6 : i32
    %dma_start3A_8 = tpu.memref_slice %arg3[%add3A_7] : memref<320000xi32, #tpu.memory_space<hbm>> -> memref<384xi32, #tpu.memory_space<hbm>>
    %dma_start3A_9 = tpu.memref_slice %arg3[%add3A_7] : memref<320000xi32, #tpu.memory_space<hbm>> -> memref<384xi32, #tpu.memory_space<hbm>>
    tpu.enqueue_dma source(%dma_start3A_9 : memref<384xi32, #tpu.memory_space<hbm>>) target(%arg6 : memref<384xi32, #tpu.memory_space<vmem>>) target_semaphore(%arg11 : memref<!tpu.dma_semaphore, #tpu.memory_space<semaphore_mem>>)
    %scan3A = arith.constant 0 : i32
    %scan3A_10 = arith.constant 13 : i32
    %scan3A_11 = arith.addi %scan3A, %scan3A_10 : i32
    %scan3A_12 = arith.constant 1 : i32
    scf.for %scan3A_43 = %scan3A to %scan3A_11 step %scan3A_12  : i32 {
      %mul3A_44 = arith.constant 1 : i32
      %mul3A_45 = arith.muli %scan3A_43, %mul3A_44 : i32
      %add3A_46 = arith.constant 0 : i32
      %add3A_47 = arith.addi %add3A_46, %mul3A_45 : i32
      %mul3A_48 = arith.constant 2 : i32
      %mul3A_49 = arith.muli %mul3A_48, %add3A_47 : i32
      %add3A_50 = arith.constant 0 : i32
      %add3A_51 = arith.addi %mul3A_49, %add3A_50 : i32
      %dma_wait3A_52 = tpu.memref_slice %arg3[%mul3A_2] : memref<320000xi32, #tpu.memory_space<hbm>> -> memref<384xi32, #tpu.memory_space<hbm>>
      %dma_wait3A_53 = tpu.memref_slice %arg3[%mul3A_2] : memref<320000xi32, #tpu.memory_space<hbm>> -> memref<384xi32, #tpu.memory_space<hbm>>
      tpu.wait_dma2 semaphore(%arg10 : memref<!tpu.dma_semaphore, #tpu.memory_space<semaphore_mem>>) src(%dma_wait3A_53 : memref<384xi32, #tpu.memory_space<hbm>>) dst(%arg5 : memref<384xi32, #tpu.memory_space<vmem>>)
      %ge3A = arith.constant 2 : i32
      %ge3A_54 = arith.cmpi sge, %add3A_51, %ge3A : i32
      %convert_element_type3A = arith.extui %ge3A_54 : i1 to i32
      %cond3A = arith.constant 0 : i32
      %cond3A_55 = arith.cmpi ne, %convert_element_type3A, %cond3A : i32
      scf.if %cond3A_55 {
        %dma_wait3A_190 = arith.constant 0 : i32
        %dma_wait3A_191 = tpu.memref_slice %arg4[%mul3A_2, %dma_wait3A_190] : memref<320000x128xf32, #tpu.memory_space<hbm>> -> memref<384x128xf32, #tpu.memory_space<hbm>>
        %dma_wait3A_192 = arith.constant 0 : i32
        %dma_wait3A_193 = tpu.memref_slice %arg4[%mul3A_2, %dma_wait3A_192] : memref<320000x128xf32, #tpu.memory_space<hbm>> -> memref<384x128xf32, #tpu.memory_space<hbm>>
        tpu.wait_dma2 semaphore(%arg12 : memref<!tpu.dma_semaphore, #tpu.memory_space<semaphore_mem>>) src(%arg8 : memref<384x128xf32, #tpu.memory_space<vmem>>) dst(%dma_wait3A_193 : memref<384x128xf32, #tpu.memory_space<hbm>>)
      } else {
      }
      %dma_start3A_56 = arith.constant 0 : i32
      %dma_start3A_57 = arith.constant 0 : i32
      %dma_start3A_58 = tpu.memref_slice %arg8[%dma_start3A_56, %dma_start3A_57] : memref<384x128xf32, #tpu.memory_space<vmem>> -> memref<128x128xf32, #tpu.memory_space<vmem>>
      %dma_start3A_59 = arith.constant 0 : i32
      %dma_start3A_60 = tpu.memref_slice %arg5[%dma_start3A_59] : memref<384xi32, #tpu.memory_space<vmem>> -> memref<128xi32, #tpu.memory_space<vmem>>
      %dma_start3A_61 = arith.constant 0 : i32
      %dma_start3A_62 = arith.constant 0 : i32
      %dma_start3A_63 = tpu.memref_slice %arg2[%dma_start3A_61, %dma_start3A_62] : memref<10000x128xf32, #tpu.memory_space<hbm>> -> memref<10000x128xf32, #tpu.memory_space<hbm>>
      tpu.enqueue_indirect_dma source(%dma_start3A_63 : memref<10000x128xf32, #tpu.memory_space<hbm>>) target(%dma_start3A_58 : memref<128x128xf32, #tpu.memory_space<vmem>>) offsets(%dma_start3A_60 : memref<128xi32, #tpu.memory_space<vmem>>) semaphore(%arg10 : memref<!tpu.dma_semaphore, #tpu.memory_space<semaphore_mem>>)
      %dma_start3A_64 = arith.constant 128 : i32
      %dma_start3A_65 = arith.constant 0 : i32
      %dma_start3A_66 = tpu.memref_slice %arg8[%dma_start3A_64, %dma_start3A_65] : memref<384x128xf32, #tpu.memory_space<vmem>> -> memref<128x128xf32, #tpu.memory_space<vmem>>
      %dma_start3A_67 = arith.constant 128 : i32
      %dma_start3A_68 = tpu.memref_slice %arg5[%dma_start3A_67] : memref<384xi32, #tpu.memory_space<vmem>> -> memref<128xi32, #tpu.memory_space<vmem>>
      %dma_start3A_69 = arith.constant 0 : i32
      %dma_start3A_70 = arith.constant 0 : i32
      %dma_start3A_71 = tpu.memref_slice %arg2[%dma_start3A_69, %dma_start3A_70] : memref<10000x128xf32, #tpu.memory_space<hbm>> -> memref<10000x128xf32, #tpu.memory_space<hbm>>
      tpu.enqueue_indirect_dma source(%dma_start3A_71 : memref<10000x128xf32, #tpu.memory_space<hbm>>) target(%dma_start3A_66 : memref<128x128xf32, #tpu.memory_space<vmem>>) offsets(%dma_start3A_68 : memref<128xi32, #tpu.memory_space<vmem>>) semaphore(%arg10 : memref<!tpu.dma_semaphore, #tpu.memory_space<semaphore_mem>>)
      %dma_start3A_72 = arith.constant 256 : i32
      %dma_start3A_73 = arith.constant 0 : i32
      %dma_start3A_74 = tpu.memref_slice %arg8[%dma_start3A_72, %dma_start3A_73] : memref<384x128xf32, #tpu.memory_space<vmem>> -> memref<128x128xf32, #tpu.memory_space<vmem>>
      %dma_start3A_75 = arith.constant 256 : i32
      %dma_start3A_76 = tpu.memref_slice %arg5[%dma_start3A_75] : memref<384xi32, #tpu.memory_space<vmem>> -> memref<128xi32, #tpu.memory_space<vmem>>
      %dma_start3A_77 = arith.constant 0 : i32
      %dma_start3A_78 = arith.constant 0 : i32
      %dma_start3A_79 = tpu.memref_slice %arg2[%dma_start3A_77, %dma_start3A_78] : memref<10000x128xf32, #tpu.memory_space<hbm>> -> memref<10000x128xf32, #tpu.memory_space<hbm>>
      tpu.enqueue_indirect_dma source(%dma_start3A_79 : memref<10000x128xf32, #tpu.memory_space<hbm>>) target(%dma_start3A_74 : memref<128x128xf32, #tpu.memory_space<vmem>>) offsets(%dma_start3A_76 : memref<128xi32, #tpu.memory_space<vmem>>) semaphore(%arg10 : memref<!tpu.dma_semaphore, #tpu.memory_space<semaphore_mem>>)
      %dma_wait3A_80 = arith.constant 0 : i32
      %dma_wait3A_81 = arith.constant 0 : i32
      %dma_wait3A_82 = tpu.memref_slice %arg8[%dma_wait3A_80, %dma_wait3A_81] : memref<384x128xf32, #tpu.memory_space<vmem>> -> memref<128x128xf32, #tpu.memory_space<vmem>>
      %dma_wait3A_83 = arith.constant 0 : i32
      %dma_wait3A_84 = tpu.memref_slice %arg5[%dma_wait3A_83] : memref<384xi32, #tpu.memory_space<vmem>> -> memref<128xi32, #tpu.memory_space<vmem>>
      %dma_wait3A_85 = arith.constant 0 : i32
      %dma_wait3A_86 = arith.constant 0 : i32
      %dma_wait3A_87 = tpu.memref_slice %arg2[%dma_wait3A_85, %dma_wait3A_86] : memref<10000x128xf32, #tpu.memory_space<hbm>> -> memref<10000x128xf32, #tpu.memory_space<hbm>>
      tpu.wait_indirect_dma semaphore(%arg10 : memref<!tpu.dma_semaphore, #tpu.memory_space<semaphore_mem>>) src(%dma_wait3A_87 : memref<10000x128xf32, #tpu.memory_space<hbm>>) dst(%dma_wait3A_82 : memref<128x128xf32, #tpu.memory_space<vmem>>)
      %dma_wait3A_88 = arith.constant 128 : i32
      %dma_wait3A_89 = arith.constant 0 : i32
      %dma_wait3A_90 = tpu.memref_slice %arg8[%dma_wait3A_88, %dma_wait3A_89] : memref<384x128xf32, #tpu.memory_space<vmem>> -> memref<128x128xf32, #tpu.memory_space<vmem>>
      %dma_wait3A_91 = arith.constant 128 : i32
      %dma_wait3A_92 = tpu.memref_slice %arg5[%dma_wait3A_91] : memref<384xi32, #tpu.memory_space<vmem>> -> memref<128xi32, #tpu.memory_space<vmem>>
      %dma_wait3A_93 = arith.constant 0 : i32
      %dma_wait3A_94 = arith.constant 0 : i32
      %dma_wait3A_95 = tpu.memref_slice %arg2[%dma_wait3A_93, %dma_wait3A_94] : memref<10000x128xf32, #tpu.memory_space<hbm>> -> memref<10000x128xf32, #tpu.memory_space<hbm>>
      tpu.wait_indirect_dma semaphore(%arg10 : memref<!tpu.dma_semaphore, #tpu.memory_space<semaphore_mem>>) src(%dma_wait3A_95 : memref<10000x128xf32, #tpu.memory_space<hbm>>) dst(%dma_wait3A_90 : memref<128x128xf32, #tpu.memory_space<vmem>>)
      %dma_wait3A_96 = arith.constant 256 : i32
      %dma_wait3A_97 = arith.constant 0 : i32
      %dma_wait3A_98 = tpu.memref_slice %arg8[%dma_wait3A_96, %dma_wait3A_97] : memref<384x128xf32, #tpu.memory_space<vmem>> -> memref<128x128xf32, #tpu.memory_space<vmem>>
      %dma_wait3A_99 = arith.constant 256 : i32
      %dma_wait3A_100 = tpu.memref_slice %arg5[%dma_wait3A_99] : memref<384xi32, #tpu.memory_space<vmem>> -> memref<128xi32, #tpu.memory_space<vmem>>
      %dma_wait3A_101 = arith.constant 0 : i32
      %dma_wait3A_102 = arith.constant 0 : i32
      %dma_wait3A_103 = tpu.memref_slice %arg2[%dma_wait3A_101, %dma_wait3A_102] : memref<10000x128xf32, #tpu.memory_space<hbm>> -> memref<10000x128xf32, #tpu.memory_space<hbm>>
      tpu.wait_indirect_dma semaphore(%arg10 : memref<!tpu.dma_semaphore, #tpu.memory_space<semaphore_mem>>) src(%dma_wait3A_103 : memref<10000x128xf32, #tpu.memory_space<hbm>>) dst(%dma_wait3A_98 : memref<128x128xf32, #tpu.memory_space<vmem>>)
      %mul3A_104 = arith.constant 384 : i32
      %mul3A_105 = arith.muli %add3A_51, %mul3A_104 : i32
      %add3A_106 = arith.addi %mul3A_2, %mul3A_105 : i32
      %dma_start3A_107 = arith.constant 0 : i32
      %dma_start3A_108 = tpu.memref_slice %arg4[%add3A_106, %dma_start3A_107] : memref<320000x128xf32, #tpu.memory_space<hbm>> -> memref<384x128xf32, #tpu.memory_space<hbm>>
      %dma_start3A_109 = arith.constant 0 : i32
      %dma_start3A_110 = tpu.memref_slice %arg4[%add3A_106, %dma_start3A_109] : memref<320000x128xf32, #tpu.memory_space<hbm>> -> memref<384x128xf32, #tpu.memory_space<hbm>>
      tpu.enqueue_dma source(%arg8 : memref<384x128xf32, #tpu.memory_space<vmem>>) target(%dma_start3A_110 : memref<384x128xf32, #tpu.memory_space<hbm>>) target_semaphore(%arg12 : memref<!tpu.dma_semaphore, #tpu.memory_space<semaphore_mem>>)
      %add3A_111 = arith.constant 2 : i32
      %add3A_112 = arith.addi %add3A_51, %add3A_111 : i32
      %lt3A = arith.constant 26 : i32
      %lt3A_113 = arith.cmpi slt, %add3A_112, %lt3A : i32
      %convert_element_type3A_114 = arith.extui %lt3A_113 : i1 to i32
      %cond3A_115 = arith.constant 0 : i32
      %cond3A_116 = arith.cmpi ne, %convert_element_type3A_114, %cond3A_115 : i32
      scf.if %cond3A_116 {
        %add3A_190 = arith.constant 2 : i32
        %add3A_191 = arith.addi %add3A_51, %add3A_190 : i32
        %mul3A_192 = arith.constant 384 : i32
        %mul3A_193 = arith.muli %add3A_191, %mul3A_192 : i32
        %add3A_194 = arith.addi %mul3A_2, %mul3A_193 : i32
        %dma_start3A_195 = tpu.memref_slice %arg3[%add3A_194] : memref<320000xi32, #tpu.memory_space<hbm>> -> memref<384xi32, #tpu.memory_space<hbm>>
        %dma_start3A_196 = tpu.memref_slice %arg3[%add3A_194] : memref<320000xi32, #tpu.memory_space<hbm>> -> memref<384xi32, #tpu.memory_space<hbm>>
        tpu.enqueue_dma source(%dma_start3A_196 : memref<384xi32, #tpu.memory_space<hbm>>) target(%arg5 : memref<384xi32, #tpu.memory_space<vmem>>) target_semaphore(%arg10 : memref<!tpu.dma_semaphore, #tpu.memory_space<semaphore_mem>>)
      } else {
      }
      %mul3A_117 = arith.constant 2 : i32
      %mul3A_118 = arith.muli %mul3A_117, %add3A_47 : i32
      %add3A_119 = arith.constant 1 : i32
      %add3A_120 = arith.addi %mul3A_118, %add3A_119 : i32
      %dma_wait3A_121 = tpu.memref_slice %arg3[%mul3A_2] : memref<320000xi32, #tpu.memory_space<hbm>> -> memref<384xi32, #tpu.memory_space<hbm>>
      %dma_wait3A_122 = tpu.memref_slice %arg3[%mul3A_2] : memref<320000xi32, #tpu.memory_space<hbm>> -> memref<384xi32, #tpu.memory_space<hbm>>
      tpu.wait_dma2 semaphore(%arg11 : memref<!tpu.dma_semaphore, #tpu.memory_space<semaphore_mem>>) src(%dma_wait3A_122 : memref<384xi32, #tpu.memory_space<hbm>>) dst(%arg6 : memref<384xi32, #tpu.memory_space<vmem>>)
      %ge3A_123 = arith.constant 2 : i32
      %ge3A_124 = arith.cmpi sge, %add3A_120, %ge3A_123 : i32
      %convert_element_type3A_125 = arith.extui %ge3A_124 : i1 to i32
      %cond3A_126 = arith.constant 0 : i32
      %cond3A_127 = arith.cmpi ne, %convert_element_type3A_125, %cond3A_126 : i32
      scf.if %cond3A_127 {
        %dma_wait3A_190 = arith.constant 0 : i32
        %dma_wait3A_191 = tpu.memref_slice %arg4[%mul3A_2, %dma_wait3A_190] : memref<320000x128xf32, #tpu.memory_space<hbm>> -> memref<384x128xf32, #tpu.memory_space<hbm>>
        %dma_wait3A_192 = arith.constant 0 : i32
        %dma_wait3A_193 = tpu.memref_slice %arg4[%mul3A_2, %dma_wait3A_192] : memref<320000x128xf32, #tpu.memory_space<hbm>> -> memref<384x128xf32, #tpu.memory_space<hbm>>
        tpu.wait_dma2 semaphore(%arg13 : memref<!tpu.dma_semaphore, #tpu.memory_space<semaphore_mem>>) src(%arg9 : memref<384x128xf32, #tpu.memory_space<vmem>>) dst(%dma_wait3A_193 : memref<384x128xf32, #tpu.memory_space<hbm>>)
      } else {
      }
      %dma_start3A_128 = arith.constant 0 : i32
      %dma_start3A_129 = arith.constant 0 : i32
      %dma_start3A_130 = tpu.memref_slice %arg9[%dma_start3A_128, %dma_start3A_129] : memref<384x128xf32, #tpu.memory_space<vmem>> -> memref<128x128xf32, #tpu.memory_space<vmem>>
      %dma_start3A_131 = arith.constant 0 : i32
      %dma_start3A_132 = tpu.memref_slice %arg6[%dma_start3A_131] : memref<384xi32, #tpu.memory_space<vmem>> -> memref<128xi32, #tpu.memory_space<vmem>>
      %dma_start3A_133 = arith.constant 0 : i32
      %dma_start3A_134 = arith.constant 0 : i32
      %dma_start3A_135 = tpu.memref_slice %arg2[%dma_start3A_133, %dma_start3A_134] : memref<10000x128xf32, #tpu.memory_space<hbm>> -> memref<10000x128xf32, #tpu.memory_space<hbm>>
      tpu.enqueue_indirect_dma source(%dma_start3A_135 : memref<10000x128xf32, #tpu.memory_space<hbm>>) target(%dma_start3A_130 : memref<128x128xf32, #tpu.memory_space<vmem>>) offsets(%dma_start3A_132 : memref<128xi32, #tpu.memory_space<vmem>>) semaphore(%arg11 : memref<!tpu.dma_semaphore, #tpu.memory_space<semaphore_mem>>)
      %dma_start3A_136 = arith.constant 128 : i32
      %dma_start3A_137 = arith.constant 0 : i32
      %dma_start3A_138 = tpu.memref_slice %arg9[%dma_start3A_136, %dma_start3A_137] : memref<384x128xf32, #tpu.memory_space<vmem>> -> memref<128x128xf32, #tpu.memory_space<vmem>>
      %dma_start3A_139 = arith.constant 128 : i32
      %dma_start3A_140 = tpu.memref_slice %arg6[%dma_start3A_139] : memref<384xi32, #tpu.memory_space<vmem>> -> memref<128xi32, #tpu.memory_space<vmem>>
      %dma_start3A_141 = arith.constant 0 : i32
      %dma_start3A_142 = arith.constant 0 : i32
      %dma_start3A_143 = tpu.memref_slice %arg2[%dma_start3A_141, %dma_start3A_142] : memref<10000x128xf32, #tpu.memory_space<hbm>> -> memref<10000x128xf32, #tpu.memory_space<hbm>>
      tpu.enqueue_indirect_dma source(%dma_start3A_143 : memref<10000x128xf32, #tpu.memory_space<hbm>>) target(%dma_start3A_138 : memref<128x128xf32, #tpu.memory_space<vmem>>) offsets(%dma_start3A_140 : memref<128xi32, #tpu.memory_space<vmem>>) semaphore(%arg11 : memref<!tpu.dma_semaphore, #tpu.memory_space<semaphore_mem>>)
      %dma_start3A_144 = arith.constant 256 : i32
      %dma_start3A_145 = arith.constant 0 : i32
      %dma_start3A_146 = tpu.memref_slice %arg9[%dma_start3A_144, %dma_start3A_145] : memref<384x128xf32, #tpu.memory_space<vmem>> -> memref<128x128xf32, #tpu.memory_space<vmem>>
      %dma_start3A_147 = arith.constant 256 : i32
      %dma_start3A_148 = tpu.memref_slice %arg6[%dma_start3A_147] : memref<384xi32, #tpu.memory_space<vmem>> -> memref<128xi32, #tpu.memory_space<vmem>>
      %dma_start3A_149 = arith.constant 0 : i32
      %dma_start3A_150 = arith.constant 0 : i32
      %dma_start3A_151 = tpu.memref_slice %arg2[%dma_start3A_149, %dma_start3A_150] : memref<10000x128xf32, #tpu.memory_space<hbm>> -> memref<10000x128xf32, #tpu.memory_space<hbm>>
      tpu.enqueue_indirect_dma source(%dma_start3A_151 : memref<10000x128xf32, #tpu.memory_space<hbm>>) target(%dma_start3A_146 : memref<128x128xf32, #tpu.memory_space<vmem>>) offsets(%dma_start3A_148 : memref<128xi32, #tpu.memory_space<vmem>>) semaphore(%arg11 : memref<!tpu.dma_semaphore, #tpu.memory_space<semaphore_mem>>)
      %dma_wait3A_152 = arith.constant 0 : i32
      %dma_wait3A_153 = arith.constant 0 : i32
      %dma_wait3A_154 = tpu.memref_slice %arg9[%dma_wait3A_152, %dma_wait3A_153] : memref<384x128xf32, #tpu.memory_space<vmem>> -> memref<128x128xf32, #tpu.memory_space<vmem>>
      %dma_wait3A_155 = arith.constant 0 : i32
      %dma_wait3A_156 = tpu.memref_slice %arg6[%dma_wait3A_155] : memref<384xi32, #tpu.memory_space<vmem>> -> memref<128xi32, #tpu.memory_space<vmem>>
      %dma_wait3A_157 = arith.constant 0 : i32
      %dma_wait3A_158 = arith.constant 0 : i32
      %dma_wait3A_159 = tpu.memref_slice %arg2[%dma_wait3A_157, %dma_wait3A_158] : memref<10000x128xf32, #tpu.memory_space<hbm>> -> memref<10000x128xf32, #tpu.memory_space<hbm>>
      tpu.wait_indirect_dma semaphore(%arg11 : memref<!tpu.dma_semaphore, #tpu.memory_space<semaphore_mem>>) src(%dma_wait3A_159 : memref<10000x128xf32, #tpu.memory_space<hbm>>) dst(%dma_wait3A_154 : memref<128x128xf32, #tpu.memory_space<vmem>>)
      %dma_wait3A_160 = arith.constant 128 : i32
      %dma_wait3A_161 = arith.constant 0 : i32
      %dma_wait3A_162 = tpu.memref_slice %arg9[%dma_wait3A_160, %dma_wait3A_161] : memref<384x128xf32, #tpu.memory_space<vmem>> -> memref<128x128xf32, #tpu.memory_space<vmem>>
      %dma_wait3A_163 = arith.constant 128 : i32
      %dma_wait3A_164 = tpu.memref_slice %arg6[%dma_wait3A_163] : memref<384xi32, #tpu.memory_space<vmem>> -> memref<128xi32, #tpu.memory_space<vmem>>
      %dma_wait3A_165 = arith.constant 0 : i32
      %dma_wait3A_166 = arith.constant 0 : i32
      %dma_wait3A_167 = tpu.memref_slice %arg2[%dma_wait3A_165, %dma_wait3A_166] : memref<10000x128xf32, #tpu.memory_space<hbm>> -> memref<10000x128xf32, #tpu.memory_space<hbm>>
      tpu.wait_indirect_dma semaphore(%arg11 : memref<!tpu.dma_semaphore, #tpu.memory_space<semaphore_mem>>) src(%dma_wait3A_167 : memref<10000x128xf32, #tpu.memory_space<hbm>>) dst(%dma_wait3A_162 : memref<128x128xf32, #tpu.memory_space<vmem>>)
      %dma_wait3A_168 = arith.constant 256 : i32
      %dma_wait3A_169 = arith.constant 0 : i32
      %dma_wait3A_170 = tpu.memref_slice %arg9[%dma_wait3A_168, %dma_wait3A_169] : memref<384x128xf32, #tpu.memory_space<vmem>> -> memref<128x128xf32, #tpu.memory_space<vmem>>
      %dma_wait3A_171 = arith.constant 256 : i32
      %dma_wait3A_172 = tpu.memref_slice %arg6[%dma_wait3A_171] : memref<384xi32, #tpu.memory_space<vmem>> -> memref<128xi32, #tpu.memory_space<vmem>>
      %dma_wait3A_173 = arith.constant 0 : i32
      %dma_wait3A_174 = arith.constant 0 : i32
      %dma_wait3A_175 = tpu.memref_slice %arg2[%dma_wait3A_173, %dma_wait3A_174] : memref<10000x128xf32, #tpu.memory_space<hbm>> -> memref<10000x128xf32, #tpu.memory_space<hbm>>
      tpu.wait_indirect_dma semaphore(%arg11 : memref<!tpu.dma_semaphore, #tpu.memory_space<semaphore_mem>>) src(%dma_wait3A_175 : memref<10000x128xf32, #tpu.memory_space<hbm>>) dst(%dma_wait3A_170 : memref<128x128xf32, #tpu.memory_space<vmem>>)
      %mul3A_176 = arith.constant 384 : i32
      %mul3A_177 = arith.muli %add3A_120, %mul3A_176 : i32
      %add3A_178 = arith.addi %mul3A_2, %mul3A_177 : i32
      %dma_start3A_179 = arith.constant 0 : i32
      %dma_start3A_180 = tpu.memref_slice %arg4[%add3A_178, %dma_start3A_179] : memref<320000x128xf32, #tpu.memory_space<hbm>> -> memref<384x128xf32, #tpu.memory_space<hbm>>
      %dma_start3A_181 = arith.constant 0 : i32
      %dma_start3A_182 = tpu.memref_slice %arg4[%add3A_178, %dma_start3A_181] : memref<320000x128xf32, #tpu.memory_space<hbm>> -> memref<384x128xf32, #tpu.memory_space<hbm>>
      tpu.enqueue_dma source(%arg9 : memref<384x128xf32, #tpu.memory_space<vmem>>) target(%dma_start3A_182 : memref<384x128xf32, #tpu.memory_space<hbm>>) target_semaphore(%arg13 : memref<!tpu.dma_semaphore, #tpu.memory_space<semaphore_mem>>)
      %add3A_183 = arith.constant 2 : i32
      %add3A_184 = arith.addi %add3A_120, %add3A_183 : i32
      %lt3A_185 = arith.constant 26 : i32
      %lt3A_186 = arith.cmpi slt, %add3A_184, %lt3A_185 : i32
      %convert_element_type3A_187 = arith.extui %lt3A_186 : i1 to i32
      %cond3A_188 = arith.constant 0 : i32
      %cond3A_189 = arith.cmpi ne, %convert_element_type3A_187, %cond3A_188 : i32
      scf.if %cond3A_189 {
        %add3A_190 = arith.constant 2 : i32
        %add3A_191 = arith.addi %add3A_120, %add3A_190 : i32
        %mul3A_192 = arith.constant 384 : i32
        %mul3A_193 = arith.muli %add3A_191, %mul3A_192 : i32
        %add3A_194 = arith.addi %mul3A_2, %mul3A_193 : i32
        %dma_start3A_195 = tpu.memref_slice %arg3[%add3A_194] : memref<320000xi32, #tpu.memory_space<hbm>> -> memref<384xi32, #tpu.memory_space<hbm>>
        %dma_start3A_196 = tpu.memref_slice %arg3[%add3A_194] : memref<320000xi32, #tpu.memory_space<hbm>> -> memref<384xi32, #tpu.memory_space<hbm>>
        tpu.enqueue_dma source(%dma_start3A_196 : memref<384xi32, #tpu.memory_space<hbm>>) target(%arg6 : memref<384xi32, #tpu.memory_space<vmem>>) target_semaphore(%arg11 : memref<!tpu.dma_semaphore, #tpu.memory_space<semaphore_mem>>)
      } else {
      }
    }
    %scan3A_13 = arith.constant 13 : i32
    %dma_wait3A = arith.constant 0 : i32
    %dma_wait3A_14 = tpu.memref_slice %arg4[%mul3A_2, %dma_wait3A] : memref<320000x128xf32, #tpu.memory_space<hbm>> -> memref<384x128xf32, #tpu.memory_space<hbm>>
    %dma_wait3A_15 = arith.constant 0 : i32
    %dma_wait3A_16 = tpu.memref_slice %arg4[%mul3A_2, %dma_wait3A_15] : memref<320000x128xf32, #tpu.memory_space<hbm>> -> memref<384x128xf32, #tpu.memory_space<hbm>>
    tpu.wait_dma2 semaphore(%arg12 : memref<!tpu.dma_semaphore, #tpu.memory_space<semaphore_mem>>) src(%arg8 : memref<384x128xf32, #tpu.memory_space<vmem>>) dst(%dma_wait3A_16 : memref<384x128xf32, #tpu.memory_space<hbm>>)
    %dma_wait3A_17 = arith.constant 0 : i32
    %dma_wait3A_18 = tpu.memref_slice %arg4[%mul3A_2, %dma_wait3A_17] : memref<320000x128xf32, #tpu.memory_space<hbm>> -> memref<384x128xf32, #tpu.memory_space<hbm>>
    %dma_wait3A_19 = arith.constant 0 : i32
    %dma_wait3A_20 = tpu.memref_slice %arg4[%mul3A_2, %dma_wait3A_19] : memref<320000x128xf32, #tpu.memory_space<hbm>> -> memref<384x128xf32, #tpu.memory_space<hbm>>
    tpu.wait_dma2 semaphore(%arg13 : memref<!tpu.dma_semaphore, #tpu.memory_space<semaphore_mem>>) src(%arg9 : memref<384x128xf32, #tpu.memory_space<vmem>>) dst(%dma_wait3A_20 : memref<384x128xf32, #tpu.memory_space<hbm>>)
    %add3A_21 = arith.constant 9984 : i32
    %add3A_22 = arith.addi %mul3A_2, %add3A_21 : i32
    %add3A_23 = arith.constant 0 : i32
    %add3A_24 = arith.addi %add3A_22, %add3A_23 : i32
    "tpu.region"() ({
      %run_scoped3A = tpu.sem_alloc : memref<!tpu.dma_semaphore, #tpu.memory_space<semaphore_mem>>
      %dma_start3A_43 = arith.constant 0 : i32
      %dma_start3A_44 = tpu.memref_slice %arg7[%dma_start3A_43] : memref<128xi32, #tpu.memory_space<vmem>> -> memref<16xi32, #tpu.memory_space<vmem>>
      %dma_start3A_45 = tpu.memref_slice %arg3[%add3A_24] : memref<320000xi32, #tpu.memory_space<hbm>> -> memref<16xi32, #tpu.memory_space<hbm>>
      %dma_start3A_46 = arith.constant 0 : i32
      %dma_start3A_47 = tpu.memref_slice %arg7[%dma_start3A_46] : memref<128xi32, #tpu.memory_space<vmem>> -> memref<16xi32, #tpu.memory_space<vmem>>
      %dma_start3A_48 = tpu.memref_slice %arg3[%add3A_24] : memref<320000xi32, #tpu.memory_space<hbm>> -> memref<16xi32, #tpu.memory_space<hbm>>
      tpu.enqueue_dma source(%dma_start3A_48 : memref<16xi32, #tpu.memory_space<hbm>>) target(%dma_start3A_47 : memref<16xi32, #tpu.memory_space<vmem>>) target_semaphore(%run_scoped3A : memref<!tpu.dma_semaphore, #tpu.memory_space<semaphore_mem>>)
      %dma_wait3A_49 = arith.constant 0 : i32
      %dma_wait3A_50 = tpu.memref_slice %arg7[%dma_wait3A_49] : memref<128xi32, #tpu.memory_space<vmem>> -> memref<16xi32, #tpu.memory_space<vmem>>
      %dma_wait3A_51 = tpu.memref_slice %arg3[%add3A_24] : memref<320000xi32, #tpu.memory_space<hbm>> -> memref<16xi32, #tpu.memory_space<hbm>>
      %dma_wait3A_52 = arith.constant 0 : i32
      %dma_wait3A_53 = tpu.memref_slice %arg7[%dma_wait3A_52] : memref<128xi32, #tpu.memory_space<vmem>> -> memref<16xi32, #tpu.memory_space<vmem>>
      %dma_wait3A_54 = tpu.memref_slice %arg3[%add3A_24] : memref<320000xi32, #tpu.memory_space<hbm>> -> memref<16xi32, #tpu.memory_space<hbm>>
      tpu.wait_dma2 semaphore(%run_scoped3A : memref<!tpu.dma_semaphore, #tpu.memory_space<semaphore_mem>>) src(%dma_wait3A_54 : memref<16xi32, #tpu.memory_space<hbm>>) dst(%dma_wait3A_53 : memref<16xi32, #tpu.memory_space<vmem>>)
      tpu.yield
    }) : () -> ()
    %dma_start3A_25 = arith.constant 0 : i32
    %dma_start3A_26 = arith.constant 0 : i32
    %dma_start3A_27 = tpu.memref_slice %arg8[%dma_start3A_25, %dma_start3A_26] : memref<384x128xf32, #tpu.memory_space<vmem>> -> memref<16x128xf32, #tpu.memory_space<vmem>>
    %dma_start3A_28 = arith.constant 0 : i32
    %dma_start3A_29 = tpu.memref_slice %arg7[%dma_start3A_28] : memref<128xi32, #tpu.memory_space<vmem>> -> memref<16xi32, #tpu.memory_space<vmem>>
    %dma_start3A_30 = arith.constant 0 : i32
    %dma_start3A_31 = arith.constant 0 : i32
    %dma_start3A_32 = tpu.memref_slice %arg2[%dma_start3A_30, %dma_start3A_31] : memref<10000x128xf32, #tpu.memory_space<hbm>> -> memref<10000x128xf32, #tpu.memory_space<hbm>>
    tpu.enqueue_indirect_dma source(%dma_start3A_32 : memref<10000x128xf32, #tpu.memory_space<hbm>>) target(%dma_start3A_27 : memref<16x128xf32, #tpu.memory_space<vmem>>) offsets(%dma_start3A_29 : memref<16xi32, #tpu.memory_space<vmem>>) semaphore(%arg10 : memref<!tpu.dma_semaphore, #tpu.memory_space<semaphore_mem>>)
    %dma_wait3A_33 = arith.constant 0 : i32
    %dma_wait3A_34 = arith.constant 0 : i32
    %dma_wait3A_35 = tpu.memref_slice %arg8[%dma_wait3A_33, %dma_wait3A_34] : memref<384x128xf32, #tpu.memory_space<vmem>> -> memref<16x128xf32, #tpu.memory_space<vmem>>
    %dma_wait3A_36 = arith.constant 0 : i32
    %dma_wait3A_37 = tpu.memref_slice %arg7[%dma_wait3A_36] : memref<128xi32, #tpu.memory_space<vmem>> -> memref<16xi32, #tpu.memory_space<vmem>>
    %dma_wait3A_38 = arith.constant 0 : i32
    %dma_wait3A_39 = arith.constant 0 : i32
    %dma_wait3A_40 = tpu.memref_slice %arg2[%dma_wait3A_38, %dma_wait3A_39] : memref<10000x128xf32, #tpu.memory_space<hbm>> -> memref<10000x128xf32, #tpu.memory_space<hbm>>
    tpu.wait_indirect_dma semaphore(%arg10 : memref<!tpu.dma_semaphore, #tpu.memory_space<semaphore_mem>>) src(%dma_wait3A_40 : memref<10000x128xf32, #tpu.memory_space<hbm>>) dst(%dma_wait3A_35 : memref<16x128xf32, #tpu.memory_space<vmem>>)
    %add3A_41 = arith.constant 0 : i32
    %add3A_42 = arith.addi %add3A_22, %add3A_41 : i32
    "tpu.region"() ({
      %run_scoped3A = tpu.sem_alloc : memref<!tpu.dma_semaphore, #tpu.memory_space<semaphore_mem>>
      %dma_start3A_43 = arith.constant 0 : i32
      %dma_start3A_44 = arith.constant 0 : i32
      %dma_start3A_45 = tpu.memref_slice %arg8[%dma_start3A_43, %dma_start3A_44] : memref<384x128xf32, #tpu.memory_space<vmem>> -> memref<16x128xf32, #tpu.memory_space<vmem>>
      %dma_start3A_46 = arith.constant 0 : i32
      %dma_start3A_47 = tpu.memref_slice %arg4[%add3A_42, %dma_start3A_46] : memref<320000x128xf32, #tpu.memory_space<hbm>> -> memref<16x128xf32, #tpu.memory_space<hbm>>
      %dma_start3A_48 = arith.constant 0 : i32
      %dma_start3A_49 = tpu.memref_slice %arg4[%add3A_42, %dma_start3A_48] : memref<320000x128xf32, #tpu.memory_space<hbm>> -> memref<16x128xf32, #tpu.memory_space<hbm>>
      %dma_start3A_50 = arith.constant 0 : i32
      %dma_start3A_51 = arith.constant 0 : i32
      %dma_start3A_52 = tpu.memref_slice %arg8[%dma_start3A_50, %dma_start3A_51] : memref<384x128xf32, #tpu.memory_space<vmem>> -> memref<16x128xf32, #tpu.memory_space<vmem>>
      tpu.enqueue_dma source(%dma_start3A_52 : memref<16x128xf32, #tpu.memory_space<vmem>>) target(%dma_start3A_49 : memref<16x128xf32, #tpu.memory_space<hbm>>) target_semaphore(%run_scoped3A : memref<!tpu.dma_semaphore, #tpu.memory_space<semaphore_mem>>)
      %dma_wait3A_53 = arith.constant 0 : i32
      %dma_wait3A_54 = arith.constant 0 : i32
      %dma_wait3A_55 = tpu.memref_slice %arg8[%dma_wait3A_53, %dma_wait3A_54] : memref<384x128xf32, #tpu.memory_space<vmem>> -> memref<16x128xf32, #tpu.memory_space<vmem>>
      %dma_wait3A_56 = arith.constant 0 : i32
      %dma_wait3A_57 = tpu.memref_slice %arg4[%add3A_42, %dma_wait3A_56] : memref<320000x128xf32, #tpu.memory_space<hbm>> -> memref<16x128xf32, #tpu.memory_space<hbm>>
      %dma_wait3A_58 = arith.constant 0 : i32
      %dma_wait3A_59 = tpu.memref_slice %arg4[%add3A_42, %dma_wait3A_58] : memref<320000x128xf32, #tpu.memory_space<hbm>> -> memref<16x128xf32, #tpu.memory_space<hbm>>
      %dma_wait3A_60 = arith.constant 0 : i32
      %dma_wait3A_61 = arith.constant 0 : i32
      %dma_wait3A_62 = tpu.memref_slice %arg8[%dma_wait3A_60, %dma_wait3A_61] : memref<384x128xf32, #tpu.memory_space<vmem>> -> memref<16x128xf32, #tpu.memory_space<vmem>>
      tpu.wait_dma2 semaphore(%run_scoped3A : memref<!tpu.dma_semaphore, #tpu.memory_space<semaphore_mem>>) src(%dma_wait3A_62 : memref<16x128xf32, #tpu.memory_space<vmem>>) dst(%dma_wait3A_59 : memref<16x128xf32, #tpu.memory_space<hbm>>)
      tpu.yield
    }) : () -> ()
    return
  }
}

#map = affine_map<(d0, d1) -> (0, 0)>
#map1 = affine_map<(d0, d1) -> (0)>
#map2 = affine_map<(d0, d1) -> (0, 0, 0)>
module attributes {stable_mosaic.version = 14 : i64} {
  func.func @k(%arg0: i32, %arg1: i32, %arg2: memref<320000x128xf32, #tpu.memory_space<hbm>>, %arg3: memref<320000xi32, #tpu.memory_space<hbm>>, %arg4: memref<10000x128xf32, #tpu.memory_space<hbm>>, %arg5: memref<2x10000x128xf32, #tpu.memory_space<hbm>>, %arg6: memref<20000xf32, #tpu.memory_space<hbm>>, %arg7: memref<128xi32, #tpu.memory_space<vmem>>, %arg8: memref<128xi32, #tpu.memory_space<vmem>>, %arg9: memref<128x128xf32, #tpu.memory_space<vmem>>, %arg10: memref<128x128xf32, #tpu.memory_space<vmem>>, %arg11: memref<16xi32, #tpu.memory_space<vmem>>, %arg12: memref<128xf32, #tpu.memory_space<vmem>>, %arg13: memref<640xf32, #tpu.memory_space<vmem>>, %arg14: memref<10000x128xf32, #tpu.memory_space<vmem_shared>>, %arg15: memref<10000xf32, #tpu.memory_space<vmem_shared>>, %arg16: memref<!tpu.dma_semaphore, #tpu.memory_space<semaphore_mem>>, %arg17: memref<!tpu.dma_semaphore, #tpu.memory_space<semaphore_mem>>) attributes {dimension_semantics = [#tpu.dimension_semantics<core_parallel>, #tpu.dimension_semantics<subcore_parallel>], iteration_bounds = array<i64: 2, 16>, scalar_prefetch = 0 : i64, scratch_operands = 11 : i64, tpu.core_type = #tpu.core_type<sc_vector_subcore>, window_params = [{transform_indices = #map}, {transform_indices = #map1}, {transform_indices = #map}, {transform_indices = #map2}, {transform_indices = #map1}]} {
    %mul3A = arith.constant 2 : i32
    %mul3A_0 = arith.muli %arg1, %mul3A : i32
    %add3A = arith.addi %mul3A_0, %arg0 : i32
    %mul3A_1 = arith.constant 624 : i32
    %mul3A_2 = arith.muli %arg1, %mul3A_1 : i32
    %broadcast_in_dim3A = arith.constant 0.000000e+00 : f32
    %broadcast_in_dim3A_3 = vector.broadcast %broadcast_in_dim3A : f32 to vector<16xf32>
    %swap3A = arith.constant 0 : index
    %swap3A_4 = tpu.vector_load %arg13[%swap3A] {strides = array<i32>} : memref<640xf32, #tpu.memory_space<vmem>>, vector<16xf32>,
    %swap3A_5 = vector.shape_cast %swap3A_4 : vector<16xf32> to vector<16xf32>
    %swap3A_6 = vector.shape_cast %broadcast_in_dim3A_3 : vector<16xf32> to vector<16xf32>
    tpu.vector_store %arg13[%swap3A], %swap3A_6 {strides = array<i32>} : memref<640xf32, #tpu.memory_space<vmem>>, vector<16xf32>,
    %broadcast_in_dim3A_7 = arith.constant 0.000000e+00 : f32
    %broadcast_in_dim3A_8 = vector.broadcast %broadcast_in_dim3A_7 : f32 to vector<16xf32>
    %swap3A_9 = arith.constant 16 : index
    %swap3A_10 = tpu.vector_load %arg13[%swap3A_9] {strides = array<i32>} : memref<640xf32, #tpu.memory_space<vmem>>, vector<16xf32>,
    %swap3A_11 = vector.shape_cast %swap3A_10 : vector<16xf32> to vector<16xf32>
    %swap3A_12 = vector.shape_cast %broadcast_in_dim3A_8 : vector<16xf32> to vector<16xf32>
    tpu.vector_store %arg13[%swap3A_9], %swap3A_12 {strides = array<i32>} : memref<640xf32, #tpu.memory_space<vmem>>, vector<16xf32>,
    %broadcast_in_dim3A_13 = arith.constant 0.000000e+00 : f32
    %broadcast_in_dim3A_14 = vector.broadcast %broadcast_in_dim3A_13 : f32 to vector<16xf32>
    %swap3A_15 = arith.constant 32 : index
    %swap3A_16 = tpu.vector_load %arg13[%swap3A_15] {strides = array<i32>} : memref<640xf32, #tpu.memory_space<vmem>>, vector<16xf32>,
    %swap3A_17 = vector.shape_cast %swap3A_16 : vector<16xf32> to vector<16xf32>
    %swap3A_18 = vector.shape_cast %broadcast_in_dim3A_14 : vector<16xf32> to vector<16xf32>
    tpu.vector_store %arg13[%swap3A_15], %swap3A_18 {strides = array<i32>} : memref<640xf32, #tpu.memory_space<vmem>>, vector<16xf32>,
    %broadcast_in_dim3A_19 = arith.constant 0.000000e+00 : f32
    %broadcast_in_dim3A_20 = vector.broadcast %broadcast_in_dim3A_19 : f32 to vector<16xf32>
    %swap3A_21 = arith.constant 48 : index
    %swap3A_22 = tpu.vector_load %arg13[%swap3A_21] {strides = array<i32>} : memref<640xf32, #tpu.memory_space<vmem>>, vector<16xf32>,
    %swap3A_23 = vector.shape_cast %swap3A_22 : vector<16xf32> to vector<16xf32>
    %swap3A_24 = vector.shape_cast %broadcast_in_dim3A_20 : vector<16xf32> to vector<16xf32>
    tpu.vector_store %arg13[%swap3A_21], %swap3A_24 {strides = array<i32>} : memref<640xf32, #tpu.memory_space<vmem>>, vector<16xf32>,
    %broadcast_in_dim3A_25 = arith.constant 0.000000e+00 : f32
    %broadcast_in_dim3A_26 = vector.broadcast %broadcast_in_dim3A_25 : f32 to vector<16xf32>
    %swap3A_27 = arith.constant 64 : index
    %swap3A_28 = tpu.vector_load %arg13[%swap3A_27] {strides = array<i32>} : memref<640xf32, #tpu.memory_space<vmem>>, vector<16xf32>,
    %swap3A_29 = vector.shape_cast %swap3A_28 : vector<16xf32> to vector<16xf32>
    %swap3A_30 = vector.shape_cast %broadcast_in_dim3A_26 : vector<16xf32> to vector<16xf32>
    tpu.vector_store %arg13[%swap3A_27], %swap3A_30 {strides = array<i32>} : memref<640xf32, #tpu.memory_space<vmem>>, vector<16xf32>,
    %broadcast_in_dim3A_31 = arith.constant 0.000000e+00 : f32
    %broadcast_in_dim3A_32 = vector.broadcast %broadcast_in_dim3A_31 : f32 to vector<16xf32>
    %swap3A_33 = arith.constant 80 : index
    %swap3A_34 = tpu.vector_load %arg13[%swap3A_33] {strides = array<i32>} : memref<640xf32, #tpu.memory_space<vmem>>, vector<16xf32>,
    %swap3A_35 = vector.shape_cast %swap3A_34 : vector<16xf32> to vector<16xf32>
    %swap3A_36 = vector.shape_cast %broadcast_in_dim3A_32 : vector<16xf32> to vector<16xf32>
    tpu.vector_store %arg13[%swap3A_33], %swap3A_36 {strides = array<i32>} : memref<640xf32, #tpu.memory_space<vmem>>, vector<16xf32>,
    %broadcast_in_dim3A_37 = arith.constant 0.000000e+00 : f32
    %broadcast_in_dim3A_38 = vector.broadcast %broadcast_in_dim3A_37 : f32 to vector<16xf32>
    %swap3A_39 = arith.constant 96 : index
    %swap3A_40 = tpu.vector_load %arg13[%swap3A_39] {strides = array<i32>} : memref<640xf32, #tpu.memory_space<vmem>>, vector<16xf32>,
    %swap3A_41 = vector.shape_cast %swap3A_40 : vector<16xf32> to vector<16xf32>
    %swap3A_42 = vector.shape_cast %broadcast_in_dim3A_38 : vector<16xf32> to vector<16xf32>
    tpu.vector_store %arg13[%swap3A_39], %swap3A_42 {strides = array<i32>} : memref<640xf32, #tpu.memory_space<vmem>>, vector<16xf32>,
    %broadcast_in_dim3A_43 = arith.constant 0.000000e+00 : f32
    %broadcast_in_dim3A_44 = vector.broadcast %broadcast_in_dim3A_43 : f32 to vector<16xf32>
    %swap3A_45 = arith.constant 112 : index
    %swap3A_46 = tpu.vector_load %arg13[%swap3A_45] {strides = array<i32>} : memref<640xf32, #tpu.memory_space<vmem>>, vector<16xf32>,
    %swap3A_47 = vector.shape_cast %swap3A_46 : vector<16xf32> to vector<16xf32>
    %swap3A_48 = vector.shape_cast %broadcast_in_dim3A_44 : vector<16xf32> to vector<16xf32>
    tpu.vector_store %arg13[%swap3A_45], %swap3A_48 {strides = array<i32>} : memref<640xf32, #tpu.memory_space<vmem>>, vector<16xf32>,
    %broadcast_in_dim3A_49 = arith.constant 0.000000e+00 : f32
    %broadcast_in_dim3A_50 = vector.broadcast %broadcast_in_dim3A_49 : f32 to vector<16xf32>
    %swap3A_51 = arith.constant 128 : index
    %swap3A_52 = tpu.vector_load %arg13[%swap3A_51] {strides = array<i32>} : memref<640xf32, #tpu.memory_space<vmem>>, vector<16xf32>,
    %swap3A_53 = vector.shape_cast %swap3A_52 : vector<16xf32> to vector<16xf32>
    %swap3A_54 = vector.shape_cast %broadcast_in_dim3A_50 : vector<16xf32> to vector<16xf32>
    tpu.vector_store %arg13[%swap3A_51], %swap3A_54 {strides = array<i32>} : memref<640xf32, #tpu.memory_space<vmem>>, vector<16xf32>,
    %broadcast_in_dim3A_55 = arith.constant 0.000000e+00 : f32
    %broadcast_in_dim3A_56 = vector.broadcast %broadcast_in_dim3A_55 : f32 to vector<16xf32>
    %swap3A_57 = arith.constant 144 : index
    %swap3A_58 = tpu.vector_load %arg13[%swap3A_57] {strides = array<i32>} : memref<640xf32, #tpu.memory_space<vmem>>, vector<16xf32>,
    %swap3A_59 = vector.shape_cast %swap3A_58 : vector<16xf32> to vector<16xf32>
    %swap3A_60 = vector.shape_cast %broadcast_in_dim3A_56 : vector<16xf32> to vector<16xf32>
    tpu.vector_store %arg13[%swap3A_57], %swap3A_60 {strides = array<i32>} : memref<640xf32, #tpu.memory_space<vmem>>, vector<16xf32>,
    %broadcast_in_dim3A_61 = arith.constant 0.000000e+00 : f32
    %broadcast_in_dim3A_62 = vector.broadcast %broadcast_in_dim3A_61 : f32 to vector<16xf32>
    %swap3A_63 = arith.constant 160 : index
    %swap3A_64 = tpu.vector_load %arg13[%swap3A_63] {strides = array<i32>} : memref<640xf32, #tpu.memory_space<vmem>>, vector<16xf32>,
    %swap3A_65 = vector.shape_cast %swap3A_64 : vector<16xf32> to vector<16xf32>
    %swap3A_66 = vector.shape_cast %broadcast_in_dim3A_62 : vector<16xf32> to vector<16xf32>
    tpu.vector_store %arg13[%swap3A_63], %swap3A_66 {strides = array<i32>} : memref<640xf32, #tpu.memory_space<vmem>>, vector<16xf32>,
    %broadcast_in_dim3A_67 = arith.constant 0.000000e+00 : f32
    %broadcast_in_dim3A_68 = vector.broadcast %broadcast_in_dim3A_67 : f32 to vector<16xf32>
    %swap3A_69 = arith.constant 176 : index
    %swap3A_70 = tpu.vector_load %arg13[%swap3A_69] {strides = array<i32>} : memref<640xf32, #tpu.memory_space<vmem>>, vector<16xf32>,
    %swap3A_71 = vector.shape_cast %swap3A_70 : vector<16xf32> to vector<16xf32>
    %swap3A_72 = vector.shape_cast %broadcast_in_dim3A_68 : vector<16xf32> to vector<16xf32>
    tpu.vector_store %arg13[%swap3A_69], %swap3A_72 {strides = array<i32>} : memref<640xf32, #tpu.memory_space<vmem>>, vector<16xf32>,
    %broadcast_in_dim3A_73 = arith.constant 0.000000e+00 : f32
    %broadcast_in_dim3A_74 = vector.broadcast %broadcast_in_dim3A_73 : f32 to vector<16xf32>
    %swap3A_75 = arith.constant 192 : index
    %swap3A_76 = tpu.vector_load %arg13[%swap3A_75] {strides = array<i32>} : memref<640xf32, #tpu.memory_space<vmem>>, vector<16xf32>,
    %swap3A_77 = vector.shape_cast %swap3A_76 : vector<16xf32> to vector<16xf32>
    %swap3A_78 = vector.shape_cast %broadcast_in_dim3A_74 : vector<16xf32> to vector<16xf32>
    tpu.vector_store %arg13[%swap3A_75], %swap3A_78 {strides = array<i32>} : memref<640xf32, #tpu.memory_space<vmem>>, vector<16xf32>,
    %broadcast_in_dim3A_79 = arith.constant 0.000000e+00 : f32
    %broadcast_in_dim3A_80 = vector.broadcast %broadcast_in_dim3A_79 : f32 to vector<16xf32>
    %swap3A_81 = arith.constant 208 : index
    %swap3A_82 = tpu.vector_load %arg13[%swap3A_81] {strides = array<i32>} : memref<640xf32, #tpu.memory_space<vmem>>, vector<16xf32>,
    %swap3A_83 = vector.shape_cast %swap3A_82 : vector<16xf32> to vector<16xf32>
    %swap3A_84 = vector.shape_cast %broadcast_in_dim3A_80 : vector<16xf32> to vector<16xf32>
    tpu.vector_store %arg13[%swap3A_81], %swap3A_84 {strides = array<i32>} : memref<640xf32, #tpu.memory_space<vmem>>, vector<16xf32>,
    %broadcast_in_dim3A_85 = arith.constant 0.000000e+00 : f32
    %broadcast_in_dim3A_86 = vector.broadcast %broadcast_in_dim3A_85 : f32 to vector<16xf32>
    %swap3A_87 = arith.constant 224 : index
    %swap3A_88 = tpu.vector_load %arg13[%swap3A_87] {strides = array<i32>} : memref<640xf32, #tpu.memory_space<vmem>>, vector<16xf32>,
    %swap3A_89 = vector.shape_cast %swap3A_88 : vector<16xf32> to vector<16xf32>
    %swap3A_90 = vector.shape_cast %broadcast_in_dim3A_86 : vector<16xf32> to vector<16xf32>
    tpu.vector_store %arg13[%swap3A_87], %swap3A_90 {strides = array<i32>} : memref<640xf32, #tpu.memory_space<vmem>>, vector<16xf32>,
    %broadcast_in_dim3A_91 = arith.constant 0.000000e+00 : f32
    %broadcast_in_dim3A_92 = vector.broadcast %broadcast_in_dim3A_91 : f32 to vector<16xf32>
    %swap3A_93 = arith.constant 240 : index
    %swap3A_94 = tpu.vector_load %arg13[%swap3A_93] {strides = array<i32>} : memref<640xf32, #tpu.memory_space<vmem>>, vector<16xf32>,
    %swap3A_95 = vector.shape_cast %swap3A_94 : vector<16xf32> to vector<16xf32>
    %swap3A_96 = vector.shape_cast %broadcast_in_dim3A_92 : vector<16xf32> to vector<16xf32>
    tpu.vector_store %arg13[%swap3A_93], %swap3A_96 {strides = array<i32>} : memref<640xf32, #tpu.memory_space<vmem>>, vector<16xf32>,
    %broadcast_in_dim3A_97 = arith.constant 0.000000e+00 : f32
    %broadcast_in_dim3A_98 = vector.broadcast %broadcast_in_dim3A_97 : f32 to vector<16xf32>
    %swap3A_99 = arith.constant 256 : index
    %swap3A_100 = tpu.vector_load %arg13[%swap3A_99] {strides = array<i32>} : memref<640xf32, #tpu.memory_space<vmem>>, vector<16xf32>,
    %swap3A_101 = vector.shape_cast %swap3A_100 : vector<16xf32> to vector<16xf32>
    %swap3A_102 = vector.shape_cast %broadcast_in_dim3A_98 : vector<16xf32> to vector<16xf32>
    tpu.vector_store %arg13[%swap3A_99], %swap3A_102 {strides = array<i32>} : memref<640xf32, #tpu.memory_space<vmem>>, vector<16xf32>,
    %broadcast_in_dim3A_103 = arith.constant 0.000000e+00 : f32
    %broadcast_in_dim3A_104 = vector.broadcast %broadcast_in_dim3A_103 : f32 to vector<16xf32>
    %swap3A_105 = arith.constant 272 : index
    %swap3A_106 = tpu.vector_load %arg13[%swap3A_105] {strides = array<i32>} : memref<640xf32, #tpu.memory_space<vmem>>, vector<16xf32>,
    %swap3A_107 = vector.shape_cast %swap3A_106 : vector<16xf32> to vector<16xf32>
    %swap3A_108 = vector.shape_cast %broadcast_in_dim3A_104 : vector<16xf32> to vector<16xf32>
    tpu.vector_store %arg13[%swap3A_105], %swap3A_108 {strides = array<i32>} : memref<640xf32, #tpu.memory_space<vmem>>, vector<16xf32>,
    %broadcast_in_dim3A_109 = arith.constant 0.000000e+00 : f32
    %broadcast_in_dim3A_110 = vector.broadcast %broadcast_in_dim3A_109 : f32 to vector<16xf32>
    %swap3A_111 = arith.constant 288 : index
    %swap3A_112 = tpu.vector_load %arg13[%swap3A_111] {strides = array<i32>} : memref<640xf32, #tpu.memory_space<vmem>>, vector<16xf32>,
    %swap3A_113 = vector.shape_cast %swap3A_112 : vector<16xf32> to vector<16xf32>
    %swap3A_114 = vector.shape_cast %broadcast_in_dim3A_110 : vector<16xf32> to vector<16xf32>
    tpu.vector_store %arg13[%swap3A_111], %swap3A_114 {strides = array<i32>} : memref<640xf32, #tpu.memory_space<vmem>>, vector<16xf32>,
    %broadcast_in_dim3A_115 = arith.constant 0.000000e+00 : f32
    %broadcast_in_dim3A_116 = vector.broadcast %broadcast_in_dim3A_115 : f32 to vector<16xf32>
    %swap3A_117 = arith.constant 304 : index
    %swap3A_118 = tpu.vector_load %arg13[%swap3A_117] {strides = array<i32>} : memref<640xf32, #tpu.memory_space<vmem>>, vector<16xf32>,
    %swap3A_119 = vector.shape_cast %swap3A_118 : vector<16xf32> to vector<16xf32>
    %swap3A_120 = vector.shape_cast %broadcast_in_dim3A_116 : vector<16xf32> to vector<16xf32>
    tpu.vector_store %arg13[%swap3A_117], %swap3A_120 {strides = array<i32>} : memref<640xf32, #tpu.memory_space<vmem>>, vector<16xf32>,
    %broadcast_in_dim3A_121 = arith.constant 0.000000e+00 : f32
    %broadcast_in_dim3A_122 = vector.broadcast %broadcast_in_dim3A_121 : f32 to vector<16xf32>
    %swap3A_123 = arith.constant 320 : index
    %swap3A_124 = tpu.vector_load %arg13[%swap3A_123] {strides = array<i32>} : memref<640xf32, #tpu.memory_space<vmem>>, vector<16xf32>,
    %swap3A_125 = vector.shape_cast %swap3A_124 : vector<16xf32> to vector<16xf32>
    %swap3A_126 = vector.shape_cast %broadcast_in_dim3A_122 : vector<16xf32> to vector<16xf32>
    tpu.vector_store %arg13[%swap3A_123], %swap3A_126 {strides = array<i32>} : memref<640xf32, #tpu.memory_space<vmem>>, vector<16xf32>,
    %broadcast_in_dim3A_127 = arith.constant 0.000000e+00 : f32
    %broadcast_in_dim3A_128 = vector.broadcast %broadcast_in_dim3A_127 : f32 to vector<16xf32>
    %swap3A_129 = arith.constant 336 : index
    %swap3A_130 = tpu.vector_load %arg13[%swap3A_129] {strides = array<i32>} : memref<640xf32, #tpu.memory_space<vmem>>, vector<16xf32>,
    %swap3A_131 = vector.shape_cast %swap3A_130 : vector<16xf32> to vector<16xf32>
    %swap3A_132 = vector.shape_cast %broadcast_in_dim3A_128 : vector<16xf32> to vector<16xf32>
    tpu.vector_store %arg13[%swap3A_129], %swap3A_132 {strides = array<i32>} : memref<640xf32, #tpu.memory_space<vmem>>, vector<16xf32>,
    %broadcast_in_dim3A_133 = arith.constant 0.000000e+00 : f32
    %broadcast_in_dim3A_134 = vector.broadcast %broadcast_in_dim3A_133 : f32 to vector<16xf32>
    %swap3A_135 = arith.constant 352 : index
    %swap3A_136 = tpu.vector_load %arg13[%swap3A_135] {strides = array<i32>} : memref<640xf32, #tpu.memory_space<vmem>>, vector<16xf32>,
    %swap3A_137 = vector.shape_cast %swap3A_136 : vector<16xf32> to vector<16xf32>
    %swap3A_138 = vector.shape_cast %broadcast_in_dim3A_134 : vector<16xf32> to vector<16xf32>
    tpu.vector_store %arg13[%swap3A_135], %swap3A_138 {strides = array<i32>} : memref<640xf32, #tpu.memory_space<vmem>>, vector<16xf32>,
    %broadcast_in_dim3A_139 = arith.constant 0.000000e+00 : f32
    %broadcast_in_dim3A_140 = vector.broadcast %broadcast_in_dim3A_139 : f32 to vector<16xf32>
    %swap3A_141 = arith.constant 368 : index
    %swap3A_142 = tpu.vector_load %arg13[%swap3A_141] {strides = array<i32>} : memref<640xf32, #tpu.memory_space<vmem>>, vector<16xf32>,
    %swap3A_143 = vector.shape_cast %swap3A_142 : vector<16xf32> to vector<16xf32>
    %swap3A_144 = vector.shape_cast %broadcast_in_dim3A_140 : vector<16xf32> to vector<16xf32>
    tpu.vector_store %arg13[%swap3A_141], %swap3A_144 {strides = array<i32>} : memref<640xf32, #tpu.memory_space<vmem>>, vector<16xf32>,
    %broadcast_in_dim3A_145 = arith.constant 0.000000e+00 : f32
    %broadcast_in_dim3A_146 = vector.broadcast %broadcast_in_dim3A_145 : f32 to vector<16xf32>
    %swap3A_147 = arith.constant 384 : index
    %swap3A_148 = tpu.vector_load %arg13[%swap3A_147] {strides = array<i32>} : memref<640xf32, #tpu.memory_space<vmem>>, vector<16xf32>,
    %swap3A_149 = vector.shape_cast %swap3A_148 : vector<16xf32> to vector<16xf32>
    %swap3A_150 = vector.shape_cast %broadcast_in_dim3A_146 : vector<16xf32> to vector<16xf32>
    tpu.vector_store %arg13[%swap3A_147], %swap3A_150 {strides = array<i32>} : memref<640xf32, #tpu.memory_space<vmem>>, vector<16xf32>,
    %broadcast_in_dim3A_151 = arith.constant 0.000000e+00 : f32
    %broadcast_in_dim3A_152 = vector.broadcast %broadcast_in_dim3A_151 : f32 to vector<16xf32>
    %swap3A_153 = arith.constant 400 : index
    %swap3A_154 = tpu.vector_load %arg13[%swap3A_153] {strides = array<i32>} : memref<640xf32, #tpu.memory_space<vmem>>, vector<16xf32>,
    %swap3A_155 = vector.shape_cast %swap3A_154 : vector<16xf32> to vector<16xf32>
    %swap3A_156 = vector.shape_cast %broadcast_in_dim3A_152 : vector<16xf32> to vector<16xf32>
    tpu.vector_store %arg13[%swap3A_153], %swap3A_156 {strides = array<i32>} : memref<640xf32, #tpu.memory_space<vmem>>, vector<16xf32>,
    %broadcast_in_dim3A_157 = arith.constant 0.000000e+00 : f32
    %broadcast_in_dim3A_158 = vector.broadcast %broadcast_in_dim3A_157 : f32 to vector<16xf32>
    %swap3A_159 = arith.constant 416 : index
    %swap3A_160 = tpu.vector_load %arg13[%swap3A_159] {strides = array<i32>} : memref<640xf32, #tpu.memory_space<vmem>>, vector<16xf32>,
    %swap3A_161 = vector.shape_cast %swap3A_160 : vector<16xf32> to vector<16xf32>
    %swap3A_162 = vector.shape_cast %broadcast_in_dim3A_158 : vector<16xf32> to vector<16xf32>
    tpu.vector_store %arg13[%swap3A_159], %swap3A_162 {strides = array<i32>} : memref<640xf32, #tpu.memory_space<vmem>>, vector<16xf32>,
    %broadcast_in_dim3A_163 = arith.constant 0.000000e+00 : f32
    %broadcast_in_dim3A_164 = vector.broadcast %broadcast_in_dim3A_163 : f32 to vector<16xf32>
    %swap3A_165 = arith.constant 432 : index
    %swap3A_166 = tpu.vector_load %arg13[%swap3A_165] {strides = array<i32>} : memref<640xf32, #tpu.memory_space<vmem>>, vector<16xf32>,
    %swap3A_167 = vector.shape_cast %swap3A_166 : vector<16xf32> to vector<16xf32>
    %swap3A_168 = vector.shape_cast %broadcast_in_dim3A_164 : vector<16xf32> to vector<16xf32>
    tpu.vector_store %arg13[%swap3A_165], %swap3A_168 {strides = array<i32>} : memref<640xf32, #tpu.memory_space<vmem>>, vector<16xf32>,
    %broadcast_in_dim3A_169 = arith.constant 0.000000e+00 : f32
    %broadcast_in_dim3A_170 = vector.broadcast %broadcast_in_dim3A_169 : f32 to vector<16xf32>
    %swap3A_171 = arith.constant 448 : index
    %swap3A_172 = tpu.vector_load %arg13[%swap3A_171] {strides = array<i32>} : memref<640xf32, #tpu.memory_space<vmem>>, vector<16xf32>,
    %swap3A_173 = vector.shape_cast %swap3A_172 : vector<16xf32> to vector<16xf32>
    %swap3A_174 = vector.shape_cast %broadcast_in_dim3A_170 : vector<16xf32> to vector<16xf32>
    tpu.vector_store %arg13[%swap3A_171], %swap3A_174 {strides = array<i32>} : memref<640xf32, #tpu.memory_space<vmem>>, vector<16xf32>,
    %broadcast_in_dim3A_175 = arith.constant 0.000000e+00 : f32
    %broadcast_in_dim3A_176 = vector.broadcast %broadcast_in_dim3A_175 : f32 to vector<16xf32>
    %swap3A_177 = arith.constant 464 : index
    %swap3A_178 = tpu.vector_load %arg13[%swap3A_177] {strides = array<i32>} : memref<640xf32, #tpu.memory_space<vmem>>, vector<16xf32>,
    %swap3A_179 = vector.shape_cast %swap3A_178 : vector<16xf32> to vector<16xf32>
    %swap3A_180 = vector.shape_cast %broadcast_in_dim3A_176 : vector<16xf32> to vector<16xf32>
    tpu.vector_store %arg13[%swap3A_177], %swap3A_180 {strides = array<i32>} : memref<640xf32, #tpu.memory_space<vmem>>, vector<16xf32>,
    %broadcast_in_dim3A_181 = arith.constant 0.000000e+00 : f32
    %broadcast_in_dim3A_182 = vector.broadcast %broadcast_in_dim3A_181 : f32 to vector<16xf32>
    %swap3A_183 = arith.constant 480 : index
    %swap3A_184 = tpu.vector_load %arg13[%swap3A_183] {strides = array<i32>} : memref<640xf32, #tpu.memory_space<vmem>>, vector<16xf32>,
    %swap3A_185 = vector.shape_cast %swap3A_184 : vector<16xf32> to vector<16xf32>
    %swap3A_186 = vector.shape_cast %broadcast_in_dim3A_182 : vector<16xf32> to vector<16xf32>
    tpu.vector_store %arg13[%swap3A_183], %swap3A_186 {strides = array<i32>} : memref<640xf32, #tpu.memory_space<vmem>>, vector<16xf32>,
    %broadcast_in_dim3A_187 = arith.constant 0.000000e+00 : f32
    %broadcast_in_dim3A_188 = vector.broadcast %broadcast_in_dim3A_187 : f32 to vector<16xf32>
    %swap3A_189 = arith.constant 496 : index
    %swap3A_190 = tpu.vector_load %arg13[%swap3A_189] {strides = array<i32>} : memref<640xf32, #tpu.memory_space<vmem>>, vector<16xf32>,
    %swap3A_191 = vector.shape_cast %swap3A_190 : vector<16xf32> to vector<16xf32>
    %swap3A_192 = vector.shape_cast %broadcast_in_dim3A_188 : vector<16xf32> to vector<16xf32>
    tpu.vector_store %arg13[%swap3A_189], %swap3A_192 {strides = array<i32>} : memref<640xf32, #tpu.memory_space<vmem>>, vector<16xf32>,
    %broadcast_in_dim3A_193 = arith.constant 0.000000e+00 : f32
    %broadcast_in_dim3A_194 = vector.broadcast %broadcast_in_dim3A_193 : f32 to vector<16xf32>
    %swap3A_195 = arith.constant 512 : index
    %swap3A_196 = tpu.vector_load %arg13[%swap3A_195] {strides = array<i32>} : memref<640xf32, #tpu.memory_space<vmem>>, vector<16xf32>,
    %swap3A_197 = vector.shape_cast %swap3A_196 : vector<16xf32> to vector<16xf32>
    %swap3A_198 = vector.shape_cast %broadcast_in_dim3A_194 : vector<16xf32> to vector<16xf32>
    tpu.vector_store %arg13[%swap3A_195], %swap3A_198 {strides = array<i32>} : memref<640xf32, #tpu.memory_space<vmem>>, vector<16xf32>,
    %broadcast_in_dim3A_199 = arith.constant 0.000000e+00 : f32
    %broadcast_in_dim3A_200 = vector.broadcast %broadcast_in_dim3A_199 : f32 to vector<16xf32>
    %swap3A_201 = arith.constant 528 : index
    %swap3A_202 = tpu.vector_load %arg13[%swap3A_201] {strides = array<i32>} : memref<640xf32, #tpu.memory_space<vmem>>, vector<16xf32>,
    %swap3A_203 = vector.shape_cast %swap3A_202 : vector<16xf32> to vector<16xf32>
    %swap3A_204 = vector.shape_cast %broadcast_in_dim3A_200 : vector<16xf32> to vector<16xf32>
    tpu.vector_store %arg13[%swap3A_201], %swap3A_204 {strides = array<i32>} : memref<640xf32, #tpu.memory_space<vmem>>, vector<16xf32>,
    %broadcast_in_dim3A_205 = arith.constant 0.000000e+00 : f32
    %broadcast_in_dim3A_206 = vector.broadcast %broadcast_in_dim3A_205 : f32 to vector<16xf32>
    %swap3A_207 = arith.constant 544 : index
    %swap3A_208 = tpu.vector_load %arg13[%swap3A_207] {strides = array<i32>} : memref<640xf32, #tpu.memory_space<vmem>>, vector<16xf32>,
    %swap3A_209 = vector.shape_cast %swap3A_208 : vector<16xf32> to vector<16xf32>
    %swap3A_210 = vector.shape_cast %broadcast_in_dim3A_206 : vector<16xf32> to vector<16xf32>
    tpu.vector_store %arg13[%swap3A_207], %swap3A_210 {strides = array<i32>} : memref<640xf32, #tpu.memory_space<vmem>>, vector<16xf32>,
    %broadcast_in_dim3A_211 = arith.constant 0.000000e+00 : f32
    %broadcast_in_dim3A_212 = vector.broadcast %broadcast_in_dim3A_211 : f32 to vector<16xf32>
    %swap3A_213 = arith.constant 560 : index
    %swap3A_214 = tpu.vector_load %arg13[%swap3A_213] {strides = array<i32>} : memref<640xf32, #tpu.memory_space<vmem>>, vector<16xf32>,
    %swap3A_215 = vector.shape_cast %swap3A_214 : vector<16xf32> to vector<16xf32>
    %swap3A_216 = vector.shape_cast %broadcast_in_dim3A_212 : vector<16xf32> to vector<16xf32>
    tpu.vector_store %arg13[%swap3A_213], %swap3A_216 {strides = array<i32>} : memref<640xf32, #tpu.memory_space<vmem>>, vector<16xf32>,
    %broadcast_in_dim3A_217 = arith.constant 0.000000e+00 : f32
    %broadcast_in_dim3A_218 = vector.broadcast %broadcast_in_dim3A_217 : f32 to vector<16xf32>
    %swap3A_219 = arith.constant 576 : index
    %swap3A_220 = tpu.vector_load %arg13[%swap3A_219] {strides = array<i32>} : memref<640xf32, #tpu.memory_space<vmem>>, vector<16xf32>,
    %swap3A_221 = vector.shape_cast %swap3A_220 : vector<16xf32> to vector<16xf32>
    %swap3A_222 = vector.shape_cast %broadcast_in_dim3A_218 : vector<16xf32> to vector<16xf32>
    tpu.vector_store %arg13[%swap3A_219], %swap3A_222 {strides = array<i32>} : memref<640xf32, #tpu.memory_space<vmem>>, vector<16xf32>,
    %broadcast_in_dim3A_223 = arith.constant 0.000000e+00 : f32
    %broadcast_in_dim3A_224 = vector.broadcast %broadcast_in_dim3A_223 : f32 to vector<16xf32>
    %swap3A_225 = arith.constant 592 : index
    %swap3A_226 = tpu.vector_load %arg13[%swap3A_225] {strides = array<i32>} : memref<640xf32, #tpu.memory_space<vmem>>, vector<16xf32>,
    %swap3A_227 = vector.shape_cast %swap3A_226 : vector<16xf32> to vector<16xf32>
    %swap3A_228 = vector.shape_cast %broadcast_in_dim3A_224 : vector<16xf32> to vector<16xf32>
    tpu.vector_store %arg13[%swap3A_225], %swap3A_228 {strides = array<i32>} : memref<640xf32, #tpu.memory_space<vmem>>, vector<16xf32>,
    %broadcast_in_dim3A_229 = arith.constant 0.000000e+00 : f32
    %broadcast_in_dim3A_230 = vector.broadcast %broadcast_in_dim3A_229 : f32 to vector<16xf32>
    %swap3A_231 = arith.constant 608 : index
    %swap3A_232 = tpu.vector_load %arg13[%swap3A_231] {strides = array<i32>} : memref<640xf32, #tpu.memory_space<vmem>>, vector<16xf32>,
    %swap3A_233 = vector.shape_cast %swap3A_232 : vector<16xf32> to vector<16xf32>
    %swap3A_234 = vector.shape_cast %broadcast_in_dim3A_230 : vector<16xf32> to vector<16xf32>
    tpu.vector_store %arg13[%swap3A_231], %swap3A_234 {strides = array<i32>} : memref<640xf32, #tpu.memory_space<vmem>>, vector<16xf32>,
    %broadcast_in_dim3A_235 = arith.constant 0.000000e+00 : f32
    %broadcast_in_dim3A_236 = vector.broadcast %broadcast_in_dim3A_235 : f32 to vector<16xf32>
    %swap3A_237 = arith.constant 624 : index
    %swap3A_238 = tpu.vector_load %arg13[%swap3A_237] {strides = array<i32>} : memref<640xf32, #tpu.memory_space<vmem>>, vector<16xf32>,
    %swap3A_239 = vector.shape_cast %swap3A_238 : vector<16xf32> to vector<16xf32>
    %swap3A_240 = vector.shape_cast %broadcast_in_dim3A_236 : vector<16xf32> to vector<16xf32>
    tpu.vector_store %arg13[%swap3A_237], %swap3A_240 {strides = array<i32>} : memref<640xf32, #tpu.memory_space<vmem>>, vector<16xf32>,
    %broadcast_in_dim3A_241 = arith.constant 1.000000e+00 : f32
    %broadcast_in_dim3A_242 = vector.broadcast %broadcast_in_dim3A_241 : f32 to vector<16xf32>
    %swap3A_243 = arith.constant 0 : index
    %swap3A_244 = tpu.vector_load %arg12[%swap3A_243] {strides = array<i32>} : memref<128xf32, #tpu.memory_space<vmem>>, vector<16xf32>,
    %swap3A_245 = vector.shape_cast %swap3A_244 : vector<16xf32> to vector<16xf32>
    %swap3A_246 = vector.shape_cast %broadcast_in_dim3A_242 : vector<16xf32> to vector<16xf32>
    tpu.vector_store %arg12[%swap3A_243], %swap3A_246 {strides = array<i32>} : memref<128xf32, #tpu.memory_space<vmem>>, vector<16xf32>,
    %broadcast_in_dim3A_247 = arith.constant 1.000000e+00 : f32
    %broadcast_in_dim3A_248 = vector.broadcast %broadcast_in_dim3A_247 : f32 to vector<16xf32>
    %swap3A_249 = arith.constant 16 : index
    %swap3A_250 = tpu.vector_load %arg12[%swap3A_249] {strides = array<i32>} : memref<128xf32, #tpu.memory_space<vmem>>, vector<16xf32>,
    %swap3A_251 = vector.shape_cast %swap3A_250 : vector<16xf32> to vector<16xf32>
    %swap3A_252 = vector.shape_cast %broadcast_in_dim3A_248 : vector<16xf32> to vector<16xf32>
    tpu.vector_store %arg12[%swap3A_249], %swap3A_252 {strides = array<i32>} : memref<128xf32, #tpu.memory_space<vmem>>, vector<16xf32>,
    %broadcast_in_dim3A_253 = arith.constant 1.000000e+00 : f32
    %broadcast_in_dim3A_254 = vector.broadcast %broadcast_in_dim3A_253 : f32 to vector<16xf32>
    %swap3A_255 = arith.constant 32 : index
    %swap3A_256 = tpu.vector_load %arg12[%swap3A_255] {strides = array<i32>} : memref<128xf32, #tpu.memory_space<vmem>>, vector<16xf32>,
    %swap3A_257 = vector.shape_cast %swap3A_256 : vector<16xf32> to vector<16xf32>
    %swap3A_258 = vector.shape_cast %broadcast_in_dim3A_254 : vector<16xf32> to vector<16xf32>
    tpu.vector_store %arg12[%swap3A_255], %swap3A_258 {strides = array<i32>} : memref<128xf32, #tpu.memory_space<vmem>>, vector<16xf32>,
    %broadcast_in_dim3A_259 = arith.constant 1.000000e+00 : f32
    %broadcast_in_dim3A_260 = vector.broadcast %broadcast_in_dim3A_259 : f32 to vector<16xf32>
    %swap3A_261 = arith.constant 48 : index
    %swap3A_262 = tpu.vector_load %arg12[%swap3A_261] {strides = array<i32>} : memref<128xf32, #tpu.memory_space<vmem>>, vector<16xf32>,
    %swap3A_263 = vector.shape_cast %swap3A_262 : vector<16xf32> to vector<16xf32>
    %swap3A_264 = vector.shape_cast %broadcast_in_dim3A_260 : vector<16xf32> to vector<16xf32>
    tpu.vector_store %arg12[%swap3A_261], %swap3A_264 {strides = array<i32>} : memref<128xf32, #tpu.memory_space<vmem>>, vector<16xf32>,
    %broadcast_in_dim3A_265 = arith.constant 1.000000e+00 : f32
    %broadcast_in_dim3A_266 = vector.broadcast %broadcast_in_dim3A_265 : f32 to vector<16xf32>
    %swap3A_267 = arith.constant 64 : index
    %swap3A_268 = tpu.vector_load %arg12[%swap3A_267] {strides = array<i32>} : memref<128xf32, #tpu.memory_space<vmem>>, vector<16xf32>,
    %swap3A_269 = vector.shape_cast %swap3A_268 : vector<16xf32> to vector<16xf32>
    %swap3A_270 = vector.shape_cast %broadcast_in_dim3A_266 : vector<16xf32> to vector<16xf32>
    tpu.vector_store %arg12[%swap3A_267], %swap3A_270 {strides = array<i32>} : memref<128xf32, #tpu.memory_space<vmem>>, vector<16xf32>,
    %broadcast_in_dim3A_271 = arith.constant 1.000000e+00 : f32
    %broadcast_in_dim3A_272 = vector.broadcast %broadcast_in_dim3A_271 : f32 to vector<16xf32>
    %swap3A_273 = arith.constant 80 : index
    %swap3A_274 = tpu.vector_load %arg12[%swap3A_273] {strides = array<i32>} : memref<128xf32, #tpu.memory_space<vmem>>, vector<16xf32>,
    %swap3A_275 = vector.shape_cast %swap3A_274 : vector<16xf32> to vector<16xf32>
    %swap3A_276 = vector.shape_cast %broadcast_in_dim3A_272 : vector<16xf32> to vector<16xf32>
    tpu.vector_store %arg12[%swap3A_273], %swap3A_276 {strides = array<i32>} : memref<128xf32, #tpu.memory_space<vmem>>, vector<16xf32>,
    %broadcast_in_dim3A_277 = arith.constant 1.000000e+00 : f32
    %broadcast_in_dim3A_278 = vector.broadcast %broadcast_in_dim3A_277 : f32 to vector<16xf32>
    %swap3A_279 = arith.constant 96 : index
    %swap3A_280 = tpu.vector_load %arg12[%swap3A_279] {strides = array<i32>} : memref<128xf32, #tpu.memory_space<vmem>>, vector<16xf32>,
    %swap3A_281 = vector.shape_cast %swap3A_280 : vector<16xf32> to vector<16xf32>
    %swap3A_282 = vector.shape_cast %broadcast_in_dim3A_278 : vector<16xf32> to vector<16xf32>
    tpu.vector_store %arg12[%swap3A_279], %swap3A_282 {strides = array<i32>} : memref<128xf32, #tpu.memory_space<vmem>>, vector<16xf32>,
    %broadcast_in_dim3A_283 = arith.constant 1.000000e+00 : f32
    %broadcast_in_dim3A_284 = vector.broadcast %broadcast_in_dim3A_283 : f32 to vector<16xf32>
    %swap3A_285 = arith.constant 112 : index
    %swap3A_286 = tpu.vector_load %arg12[%swap3A_285] {strides = array<i32>} : memref<128xf32, #tpu.memory_space<vmem>>, vector<16xf32>,
    %swap3A_287 = vector.shape_cast %swap3A_286 : vector<16xf32> to vector<16xf32>
    %swap3A_288 = vector.shape_cast %broadcast_in_dim3A_284 : vector<16xf32> to vector<16xf32>
    tpu.vector_store %arg12[%swap3A_285], %swap3A_288 {strides = array<i32>} : memref<128xf32, #tpu.memory_space<vmem>>, vector<16xf32>,
    %lt3A = arith.constant 15 : i32
    %lt3A_289 = arith.cmpi slt, %arg1, %lt3A : i32
    %convert_element_type3A = arith.extui %lt3A_289 : i1 to i32
    %cond3A = arith.constant 0 : i32
    %cond3A_290 = arith.cmpi ne, %convert_element_type3A, %cond3A : i32
    scf.if %cond3A_290 {
      "tpu.region"() ({
        %run_scoped3A = tpu.sem_alloc : memref<!tpu.dma_semaphore, #tpu.memory_space<semaphore_mem>>
        %dma_start3A_333 = arith.constant 0 : i32
        %dma_start3A_334 = tpu.memref_slice %arg14[%mul3A_2, %dma_start3A_333] : memref<10000x128xf32, #tpu.memory_space<vmem_shared>> -> memref<624x128xf32, #tpu.memory_space<vmem_shared>>
        %dma_start3A_335 = arith.constant 0 : i32
        %dma_start3A_336 = tpu.memref_slice %arg4[%mul3A_2, %dma_start3A_335] : memref<10000x128xf32, #tpu.memory_space<hbm>> -> memref<624x128xf32, #tpu.memory_space<hbm>>
        tpu.enqueue_dma source(%dma_start3A_336 : memref<624x128xf32, #tpu.memory_space<hbm>>) target(%dma_start3A_334 : memref<624x128xf32, #tpu.memory_space<vmem_shared>>) target_semaphore(%run_scoped3A : memref<!tpu.dma_semaphore, #tpu.memory_space<semaphore_mem>>)
        %dma_wait3A = arith.constant 0 : i32
        %dma_wait3A_337 = tpu.memref_slice %arg14[%mul3A_2, %dma_wait3A] : memref<10000x128xf32, #tpu.memory_space<vmem_shared>> -> memref<624x128xf32, #tpu.memory_space<vmem_shared>>
        %dma_wait3A_338 = arith.constant 0 : i32
        %dma_wait3A_339 = tpu.memref_slice %arg4[%mul3A_2, %dma_wait3A_338] : memref<10000x128xf32, #tpu.memory_space<hbm>> -> memref<624x128xf32, #tpu.memory_space<hbm>>
        tpu.wait_dma2 semaphore(%run_scoped3A : memref<!tpu.dma_semaphore, #tpu.memory_space<semaphore_mem>>) src(%dma_wait3A_339 : memref<624x128xf32, #tpu.memory_space<hbm>>) dst(%dma_wait3A_337 : memref<624x128xf32, #tpu.memory_space<vmem_shared>>)
        tpu.yield
      }) : () -> ()
      "tpu.region"() ({
        %run_scoped3A = tpu.sem_alloc : memref<!tpu.dma_semaphore, #tpu.memory_space<semaphore_mem>>
        %dma_start3A_333 = arith.constant 0 : i32
        %dma_start3A_334 = tpu.memref_slice %arg13[%dma_start3A_333] : memref<640xf32, #tpu.memory_space<vmem>> -> memref<624xf32, #tpu.memory_space<vmem>>
        %dma_start3A_335 = tpu.memref_slice %arg15[%mul3A_2] : memref<10000xf32, #tpu.memory_space<vmem_shared>> -> memref<624xf32, #tpu.memory_space<vmem_shared>>
        %dma_start3A_336 = tpu.memref_slice %arg15[%mul3A_2] : memref<10000xf32, #tpu.memory_space<vmem_shared>> -> memref<624xf32, #tpu.memory_space<vmem_shared>>
        %dma_start3A_337 = arith.constant 0 : i32
        %dma_start3A_338 = tpu.memref_slice %arg13[%dma_start3A_337] : memref<640xf32, #tpu.memory_space<vmem>> -> memref<624xf32, #tpu.memory_space<vmem>>
        tpu.enqueue_dma source(%dma_start3A_338 : memref<624xf32, #tpu.memory_space<vmem>>) target(%dma_start3A_336 : memref<624xf32, #tpu.memory_space<vmem_shared>>) target_semaphore(%run_scoped3A : memref<!tpu.dma_semaphore, #tpu.memory_space<semaphore_mem>>)
        %dma_wait3A = arith.constant 0 : i32
        %dma_wait3A_339 = tpu.memref_slice %arg13[%dma_wait3A] : memref<640xf32, #tpu.memory_space<vmem>> -> memref<624xf32, #tpu.memory_space<vmem>>
        %dma_wait3A_340 = tpu.memref_slice %arg15[%mul3A_2] : memref<10000xf32, #tpu.memory_space<vmem_shared>> -> memref<624xf32, #tpu.memory_space<vmem_shared>>
        %dma_wait3A_341 = tpu.memref_slice %arg15[%mul3A_2] : memref<10000xf32, #tpu.memory_space<vmem_shared>> -> memref<624xf32, #tpu.memory_space<vmem_shared>>
        %dma_wait3A_342 = arith.constant 0 : i32
        %dma_wait3A_343 = tpu.memref_slice %arg13[%dma_wait3A_342] : memref<640xf32, #tpu.memory_space<vmem>> -> memref<624xf32, #tpu.memory_space<vmem>>
        tpu.wait_dma2 semaphore(%run_scoped3A : memref<!tpu.dma_semaphore, #tpu.memory_space<semaphore_mem>>) src(%dma_wait3A_343 : memref<624xf32, #tpu.memory_space<vmem>>) dst(%dma_wait3A_341 : memref<624xf32, #tpu.memory_space<vmem_shared>>)
        tpu.yield
      }) : () -> ()
    } else {
    }
    %eq3A = arith.constant 15 : i32
    %eq3A_291 = arith.cmpi eq, %arg1, %eq3A : i32
    %convert_element_type3A_292 = arith.extui %eq3A_291 : i1 to i32
    %cond3A_293 = arith.constant 0 : i32
    %cond3A_294 = arith.cmpi ne, %convert_element_type3A_292, %cond3A_293 : i32
    scf.if %cond3A_294 {
      "tpu.region"() ({
        %run_scoped3A = tpu.sem_alloc : memref<!tpu.dma_semaphore, #tpu.memory_space<semaphore_mem>>
        %dma_start3A_333 = arith.constant 9360 : i32
        %dma_start3A_334 = arith.constant 0 : i32
        %dma_start3A_335 = tpu.memref_slice %arg14[%dma_start3A_333, %dma_start3A_334] : memref<10000x128xf32, #tpu.memory_space<vmem_shared>> -> memref<640x128xf32, #tpu.memory_space<vmem_shared>>
        %dma_start3A_336 = arith.constant 9360 : i32
        %dma_start3A_337 = arith.constant 0 : i32
        %dma_start3A_338 = tpu.memref_slice %arg4[%dma_start3A_336, %dma_start3A_337] : memref<10000x128xf32, #tpu.memory_space<hbm>> -> memref<640x128xf32, #tpu.memory_space<hbm>>
        tpu.enqueue_dma source(%dma_start3A_338 : memref<640x128xf32, #tpu.memory_space<hbm>>) target(%dma_start3A_335 : memref<640x128xf32, #tpu.memory_space<vmem_shared>>) target_semaphore(%run_scoped3A : memref<!tpu.dma_semaphore, #tpu.memory_space<semaphore_mem>>)
        %dma_wait3A = arith.constant 9360 : i32
        %dma_wait3A_339 = arith.constant 0 : i32
        %dma_wait3A_340 = tpu.memref_slice %arg14[%dma_wait3A, %dma_wait3A_339] : memref<10000x128xf32, #tpu.memory_space<vmem_shared>> -> memref<640x128xf32, #tpu.memory_space<vmem_shared>>
        %dma_wait3A_341 = arith.constant 9360 : i32
        %dma_wait3A_342 = arith.constant 0 : i32
        %dma_wait3A_343 = tpu.memref_slice %arg4[%dma_wait3A_341, %dma_wait3A_342] : memref<10000x128xf32, #tpu.memory_space<hbm>> -> memref<640x128xf32, #tpu.memory_space<hbm>>
        tpu.wait_dma2 semaphore(%run_scoped3A : memref<!tpu.dma_semaphore, #tpu.memory_space<semaphore_mem>>) src(%dma_wait3A_343 : memref<640x128xf32, #tpu.memory_space<hbm>>) dst(%dma_wait3A_340 : memref<640x128xf32, #tpu.memory_space<vmem_shared>>)
        tpu.yield
      }) : () -> ()
      "tpu.region"() ({
        %run_scoped3A = tpu.sem_alloc : memref<!tpu.dma_semaphore, #tpu.memory_space<semaphore_mem>>
        %dma_start3A_333 = arith.constant 9360 : i32
        %dma_start3A_334 = tpu.memref_slice %arg15[%dma_start3A_333] : memref<10000xf32, #tpu.memory_space<vmem_shared>> -> memref<640xf32, #tpu.memory_space<vmem_shared>>
        %dma_start3A_335 = arith.constant 9360 : i32
        %dma_start3A_336 = tpu.memref_slice %arg15[%dma_start3A_335] : memref<10000xf32, #tpu.memory_space<vmem_shared>> -> memref<640xf32, #tpu.memory_space<vmem_shared>>
        tpu.enqueue_dma source(%arg13 : memref<640xf32, #tpu.memory_space<vmem>>) target(%dma_start3A_336 : memref<640xf32, #tpu.memory_space<vmem_shared>>) target_semaphore(%run_scoped3A : memref<!tpu.dma_semaphore, #tpu.memory_space<semaphore_mem>>)
        %dma_wait3A = arith.constant 9360 : i32
        %dma_wait3A_337 = tpu.memref_slice %arg15[%dma_wait3A] : memref<10000xf32, #tpu.memory_space<vmem_shared>> -> memref<640xf32, #tpu.memory_space<vmem_shared>>
        %dma_wait3A_338 = arith.constant 9360 : i32
        %dma_wait3A_339 = tpu.memref_slice %arg15[%dma_wait3A_338] : memref<10000xf32, #tpu.memory_space<vmem_shared>> -> memref<640xf32, #tpu.memory_space<vmem_shared>>
        tpu.wait_dma2 semaphore(%run_scoped3A : memref<!tpu.dma_semaphore, #tpu.memory_space<semaphore_mem>>) src(%arg13 : memref<640xf32, #tpu.memory_space<vmem>>) dst(%dma_wait3A_339 : memref<640xf32, #tpu.memory_space<vmem_shared>>)
        tpu.yield
      }) : () -> ()
    } else {
    }
    %barrier3A = arith.constant 0 : index
    tpu.barrier barrier_id(%barrier3A)
    %mul3A_295 = arith.constant 10000 : i32
    %mul3A_296 = arith.muli %add3A, %mul3A_295 : i32
    %add3A_297 = arith.constant 0 : i32
    %add3A_298 = arith.addi %mul3A_296, %add3A_297 : i32
    %dma_start3A = tpu.memref_slice %arg3[%add3A_298] : memref<320000xi32, #tpu.memory_space<hbm>> -> memref<128xi32, #tpu.memory_space<hbm>>
    %dma_start3A_299 = tpu.memref_slice %arg3[%add3A_298] : memref<320000xi32, #tpu.memory_space<hbm>> -> memref<128xi32, #tpu.memory_space<hbm>>
    tpu.enqueue_dma source(%dma_start3A_299 : memref<128xi32, #tpu.memory_space<hbm>>) target(%arg7 : memref<128xi32, #tpu.memory_space<vmem>>) target_semaphore(%arg16 : memref<!tpu.dma_semaphore, #tpu.memory_space<semaphore_mem>>)
    %add3A_300 = arith.constant 0 : i32
    %add3A_301 = arith.addi %mul3A_296, %add3A_300 : i32
    %dma_start3A_302 = arith.constant 0 : i32
    %dma_start3A_303 = tpu.memref_slice %arg2[%add3A_301, %dma_start3A_302] : memref<320000x128xf32, #tpu.memory_space<hbm>> -> memref<128x128xf32, #tpu.memory_space<hbm>>
    %dma_start3A_304 = arith.constant 0 : i32
    %dma_start3A_305 = tpu.memref_slice %arg2[%add3A_301, %dma_start3A_304] : memref<320000x128xf32, #tpu.memory_space<hbm>> -> memref<128x128xf32, #tpu.memory_space<hbm>>
    tpu.enqueue_dma source(%dma_start3A_305 : memref<128x128xf32, #tpu.memory_space<hbm>>) target(%arg9 : memref<128x128xf32, #tpu.memory_space<vmem>>) target_semaphore(%arg16 : memref<!tpu.dma_semaphore, #tpu.memory_space<semaphore_mem>>)
    %add3A_306 = arith.constant 128 : i32
    %add3A_307 = arith.addi %mul3A_296, %add3A_306 : i32
    %dma_start3A_308 = tpu.memref_slice %arg3[%add3A_307] : memref<320000xi32, #tpu.memory_space<hbm>> -> memref<128xi32, #tpu.memory_space<hbm>>
    %dma_start3A_309 = tpu.memref_slice %arg3[%add3A_307] : memref<320000xi32, #tpu.memory_space<hbm>> -> memref<128xi32, #tpu.memory_space<hbm>>
    tpu.enqueue_dma source(%dma_start3A_309 : memref<128xi32, #tpu.memory_space<hbm>>) target(%arg8 : memref<128xi32, #tpu.memory_space<vmem>>) target_semaphore(%arg17 : memref<!tpu.dma_semaphore, #tpu.memory_space<semaphore_mem>>)
    %add3A_310 = arith.constant 128 : i32
    %add3A_311 = arith.addi %mul3A_296, %add3A_310 : i32
    %dma_start3A_312 = arith.constant 0 : i32
    %dma_start3A_313 = tpu.memref_slice %arg2[%add3A_311, %dma_start3A_312] : memref<320000x128xf32, #tpu.memory_space<hbm>> -> memref<128x128xf32, #tpu.memory_space<hbm>>
    %dma_start3A_314 = arith.constant 0 : i32
    %dma_start3A_315 = tpu.memref_slice %arg2[%add3A_311, %dma_start3A_314] : memref<320000x128xf32, #tpu.memory_space<hbm>> -> memref<128x128xf32, #tpu.memory_space<hbm>>
    tpu.enqueue_dma source(%dma_start3A_315 : memref<128x128xf32, #tpu.memory_space<hbm>>) target(%arg10 : memref<128x128xf32, #tpu.memory_space<vmem>>) target_semaphore(%arg17 : memref<!tpu.dma_semaphore, #tpu.memory_space<semaphore_mem>>)
    %scan3A = arith.constant 0 : i32
    %scan3A_316 = arith.constant 39 : i32
    %scan3A_317 = arith.addi %scan3A, %scan3A_316 : i32
    %scan3A_318 = arith.constant 1 : i32
    scf.for %scan3A_333 = %scan3A to %scan3A_317 step %scan3A_318  : i32 {
      %mul3A_334 = arith.constant 1 : i32
      %mul3A_335 = arith.muli %scan3A_333, %mul3A_334 : i32
      %add3A_336 = arith.constant 0 : i32
      %add3A_337 = arith.addi %add3A_336, %mul3A_335 : i32
      %mul3A_338 = arith.constant 2 : i32
      %mul3A_339 = arith.muli %mul3A_338, %add3A_337 : i32
      %add3A_340 = arith.constant 0 : i32
      %add3A_341 = arith.addi %mul3A_339, %add3A_340 : i32
      %dma_wait3A = tpu.memref_slice %arg3[%mul3A_296] : memref<320000xi32, #tpu.memory_space<hbm>> -> memref<128xi32, #tpu.memory_space<hbm>>
      %dma_wait3A_342 = tpu.memref_slice %arg3[%mul3A_296] : memref<320000xi32, #tpu.memory_space<hbm>> -> memref<128xi32, #tpu.memory_space<hbm>>
      tpu.wait_dma2 semaphore(%arg16 : memref<!tpu.dma_semaphore, #tpu.memory_space<semaphore_mem>>) src(%dma_wait3A_342 : memref<128xi32, #tpu.memory_space<hbm>>) dst(%arg7 : memref<128xi32, #tpu.memory_space<vmem>>)
      %dma_wait3A_343 = arith.constant 0 : i32
      %dma_wait3A_344 = tpu.memref_slice %arg2[%mul3A_296, %dma_wait3A_343] : memref<320000x128xf32, #tpu.memory_space<hbm>> -> memref<128x128xf32, #tpu.memory_space<hbm>>
      %dma_wait3A_345 = arith.constant 0 : i32
      %dma_wait3A_346 = tpu.memref_slice %arg2[%mul3A_296, %dma_wait3A_345] : memref<320000x128xf32, #tpu.memory_space<hbm>> -> memref<128x128xf32, #tpu.memory_space<hbm>>
      tpu.wait_dma2 semaphore(%arg16 : memref<!tpu.dma_semaphore, #tpu.memory_space<semaphore_mem>>) src(%dma_wait3A_346 : memref<128x128xf32, #tpu.memory_space<hbm>>) dst(%arg9 : memref<128x128xf32, #tpu.memory_space<vmem>>)
      "tpu.region"() ({
        %run_scoped3A = tpu.sem_alloc : memref<!tpu.dma_semaphore, #tpu.memory_space<semaphore_mem>>
        %dma_start3A_371 = arith.constant 0 : i32
        %dma_start3A_372 = arith.constant 0 : i32
        %dma_start3A_373 = tpu.memref_slice %arg14[%dma_start3A_371, %dma_start3A_372] : memref<10000x128xf32, #tpu.memory_space<vmem_shared>> -> memref<10000x128xf32, #tpu.memory_space<vmem_shared>>
        tpu.enqueue_indirect_dma source(%arg9 : memref<128x128xf32, #tpu.memory_space<vmem>>) target(%dma_start3A_373 : memref<10000x128xf32, #tpu.memory_space<vmem_shared>>) offsets(%arg7 : memref<128xi32, #tpu.memory_space<vmem>>) semaphore(%run_scoped3A : memref<!tpu.dma_semaphore, #tpu.memory_space<semaphore_mem>>) {add = true}
        %dma_wait3A_374 = arith.constant 0 : i32
        %dma_wait3A_375 = arith.constant 0 : i32
        %dma_wait3A_376 = tpu.memref_slice %arg14[%dma_wait3A_374, %dma_wait3A_375] : memref<10000x128xf32, #tpu.memory_space<vmem_shared>> -> memref<10000x128xf32, #tpu.memory_space<vmem_shared>>
        tpu.wait_indirect_dma semaphore(%run_scoped3A : memref<!tpu.dma_semaphore, #tpu.memory_space<semaphore_mem>>) src(%arg9 : memref<128x128xf32, #tpu.memory_space<vmem>>) dst(%dma_wait3A_376 : memref<10000x128xf32, #tpu.memory_space<vmem_shared>>)
        tpu.yield
      }) : () -> ()
      "tpu.region"() ({
        %run_scoped3A = tpu.sem_alloc : memref<!tpu.dma_semaphore, #tpu.memory_space<semaphore_mem>>
        %dma_start3A_371 = arith.constant 0 : i32
        %dma_start3A_372 = tpu.memref_slice %arg15[%dma_start3A_371] : memref<10000xf32, #tpu.memory_space<vmem_shared>> -> memref<10000xf32, #tpu.memory_space<vmem_shared>>
        tpu.enqueue_indirect_dma source(%arg12 : memref<128xf32, #tpu.memory_space<vmem>>) target(%dma_start3A_372 : memref<10000xf32, #tpu.memory_space<vmem_shared>>) offsets(%arg7 : memref<128xi32, #tpu.memory_space<vmem>>) semaphore(%run_scoped3A : memref<!tpu.dma_semaphore, #tpu.memory_space<semaphore_mem>>) {add = true}
        %dma_wait3A_373 = arith.constant 0 : i32
        %dma_wait3A_374 = tpu.memref_slice %arg15[%dma_wait3A_373] : memref<10000xf32, #tpu.memory_space<vmem_shared>> -> memref<10000xf32, #tpu.memory_space<vmem_shared>>
        tpu.wait_indirect_dma semaphore(%run_scoped3A : memref<!tpu.dma_semaphore, #tpu.memory_space<semaphore_mem>>) src(%arg12 : memref<128xf32, #tpu.memory_space<vmem>>) dst(%dma_wait3A_374 : memref<10000xf32, #tpu.memory_space<vmem_shared>>)
        tpu.yield
      }) : () -> ()
      %add3A_347 = arith.constant 2 : i32
      %add3A_348 = arith.addi %add3A_341, %add3A_347 : i32
      %lt3A_349 = arith.constant 78 : i32
      %lt3A_350 = arith.cmpi slt, %add3A_348, %lt3A_349 : i32
      %convert_element_type3A_351 = arith.extui %lt3A_350 : i1 to i32
      %cond3A_352 = arith.constant 0 : i32
      %cond3A_353 = arith.cmpi ne, %convert_element_type3A_351, %cond3A_352 : i32
      scf.if %cond3A_353 {
        %add3A_371 = arith.constant 2 : i32
        %add3A_372 = arith.addi %add3A_341, %add3A_371 : i32
        %mul3A_373 = arith.constant 128 : i32
        %mul3A_374 = arith.muli %add3A_372, %mul3A_373 : i32
        %add3A_375 = arith.addi %mul3A_296, %mul3A_374 : i32
        %dma_start3A_376 = tpu.memref_slice %arg3[%add3A_375] : memref<320000xi32, #tpu.memory_space<hbm>> -> memref<128xi32, #tpu.memory_space<hbm>>
        %dma_start3A_377 = tpu.memref_slice %arg3[%add3A_375] : memref<320000xi32, #tpu.memory_space<hbm>> -> memref<128xi32, #tpu.memory_space<hbm>>
        tpu.enqueue_dma source(%dma_start3A_377 : memref<128xi32, #tpu.memory_space<hbm>>) target(%arg7 : memref<128xi32, #tpu.memory_space<vmem>>) target_semaphore(%arg16 : memref<!tpu.dma_semaphore, #tpu.memory_space<semaphore_mem>>)
        %dma_start3A_378 = arith.constant 0 : i32
        %dma_start3A_379 = tpu.memref_slice %arg2[%add3A_375, %dma_start3A_378] : memref<320000x128xf32, #tpu.memory_space<hbm>> -> memref<128x128xf32, #tpu.memory_space<hbm>>
        %dma_start3A_380 = arith.constant 0 : i32
        %dma_start3A_381 = tpu.memref_slice %arg2[%add3A_375, %dma_start3A_380] : memref<320000x128xf32, #tpu.memory_space<hbm>> -> memref<128x128xf32, #tpu.memory_space<hbm>>
        tpu.enqueue_dma source(%dma_start3A_381 : memref<128x128xf32, #tpu.memory_space<hbm>>) target(%arg9 : memref<128x128xf32, #tpu.memory_space<vmem>>) target_semaphore(%arg16 : memref<!tpu.dma_semaphore, #tpu.memory_space<semaphore_mem>>)
      } else {
      }
      %mul3A_354 = arith.constant 2 : i32
      %mul3A_355 = arith.muli %mul3A_354, %add3A_337 : i32
      %add3A_356 = arith.constant 1 : i32
      %add3A_357 = arith.addi %mul3A_355, %add3A_356 : i32
      %dma_wait3A_358 = tpu.memref_slice %arg3[%mul3A_296] : memref<320000xi32, #tpu.memory_space<hbm>> -> memref<128xi32, #tpu.memory_space<hbm>>
      %dma_wait3A_359 = tpu.memref_slice %arg3[%mul3A_296] : memref<320000xi32, #tpu.memory_space<hbm>> -> memref<128xi32, #tpu.memory_space<hbm>>
      tpu.wait_dma2 semaphore(%arg17 : memref<!tpu.dma_semaphore, #tpu.memory_space<semaphore_mem>>) src(%dma_wait3A_359 : memref<128xi32, #tpu.memory_space<hbm>>) dst(%arg8 : memref<128xi32, #tpu.memory_space<vmem>>)
      %dma_wait3A_360 = arith.constant 0 : i32
      %dma_wait3A_361 = tpu.memref_slice %arg2[%mul3A_296, %dma_wait3A_360] : memref<320000x128xf32, #tpu.memory_space<hbm>> -> memref<128x128xf32, #tpu.memory_space<hbm>>
      %dma_wait3A_362 = arith.constant 0 : i32
      %dma_wait3A_363 = tpu.memref_slice %arg2[%mul3A_296, %dma_wait3A_362] : memref<320000x128xf32, #tpu.memory_space<hbm>> -> memref<128x128xf32, #tpu.memory_space<hbm>>
      tpu.wait_dma2 semaphore(%arg17 : memref<!tpu.dma_semaphore, #tpu.memory_space<semaphore_mem>>) src(%dma_wait3A_363 : memref<128x128xf32, #tpu.memory_space<hbm>>) dst(%arg10 : memref<128x128xf32, #tpu.memory_space<vmem>>)
      "tpu.region"() ({
        %run_scoped3A = tpu.sem_alloc : memref<!tpu.dma_semaphore, #tpu.memory_space<semaphore_mem>>
        %dma_start3A_371 = arith.constant 0 : i32
        %dma_start3A_372 = arith.constant 0 : i32
        %dma_start3A_373 = tpu.memref_slice %arg14[%dma_start3A_371, %dma_start3A_372] : memref<10000x128xf32, #tpu.memory_space<vmem_shared>> -> memref<10000x128xf32, #tpu.memory_space<vmem_shared>>
        tpu.enqueue_indirect_dma source(%arg10 : memref<128x128xf32, #tpu.memory_space<vmem>>) target(%dma_start3A_373 : memref<10000x128xf32, #tpu.memory_space<vmem_shared>>) offsets(%arg8 : memref<128xi32, #tpu.memory_space<vmem>>) semaphore(%run_scoped3A : memref<!tpu.dma_semaphore, #tpu.memory_space<semaphore_mem>>) {add = true}
        %dma_wait3A_374 = arith.constant 0 : i32
        %dma_wait3A_375 = arith.constant 0 : i32
        %dma_wait3A_376 = tpu.memref_slice %arg14[%dma_wait3A_374, %dma_wait3A_375] : memref<10000x128xf32, #tpu.memory_space<vmem_shared>> -> memref<10000x128xf32, #tpu.memory_space<vmem_shared>>
        tpu.wait_indirect_dma semaphore(%run_scoped3A : memref<!tpu.dma_semaphore, #tpu.memory_space<semaphore_mem>>) src(%arg10 : memref<128x128xf32, #tpu.memory_space<vmem>>) dst(%dma_wait3A_376 : memref<10000x128xf32, #tpu.memory_space<vmem_shared>>)
        tpu.yield
      }) : () -> ()
      "tpu.region"() ({
        %run_scoped3A = tpu.sem_alloc : memref<!tpu.dma_semaphore, #tpu.memory_space<semaphore_mem>>
        %dma_start3A_371 = arith.constant 0 : i32
        %dma_start3A_372 = tpu.memref_slice %arg15[%dma_start3A_371] : memref<10000xf32, #tpu.memory_space<vmem_shared>> -> memref<10000xf32, #tpu.memory_space<vmem_shared>>
        tpu.enqueue_indirect_dma source(%arg12 : memref<128xf32, #tpu.memory_space<vmem>>) target(%dma_start3A_372 : memref<10000xf32, #tpu.memory_space<vmem_shared>>) offsets(%arg8 : memref<128xi32, #tpu.memory_space<vmem>>) semaphore(%run_scoped3A : memref<!tpu.dma_semaphore, #tpu.memory_space<semaphore_mem>>) {add = true}
        %dma_wait3A_373 = arith.constant 0 : i32
        %dma_wait3A_374 = tpu.memref_slice %arg15[%dma_wait3A_373] : memref<10000xf32, #tpu.memory_space<vmem_shared>> -> memref<10000xf32, #tpu.memory_space<vmem_shared>>
        tpu.wait_indirect_dma semaphore(%run_scoped3A : memref<!tpu.dma_semaphore, #tpu.memory_space<semaphore_mem>>) src(%arg12 : memref<128xf32, #tpu.memory_space<vmem>>) dst(%dma_wait3A_374 : memref<10000xf32, #tpu.memory_space<vmem_shared>>)
        tpu.yield
      }) : () -> ()
      %add3A_364 = arith.constant 2 : i32
      %add3A_365 = arith.addi %add3A_357, %add3A_364 : i32
      %lt3A_366 = arith.constant 78 : i32
      %lt3A_367 = arith.cmpi slt, %add3A_365, %lt3A_366 : i32
      %convert_element_type3A_368 = arith.extui %lt3A_367 : i1 to i32
      %cond3A_369 = arith.constant 0 : i32
      %cond3A_370 = arith.cmpi ne, %convert_element_type3A_368, %cond3A_369 : i32
      scf.if %cond3A_370 {
        %add3A_371 = arith.constant 2 : i32
        %add3A_372 = arith.addi %add3A_357, %add3A_371 : i32
        %mul3A_373 = arith.constant 128 : i32
        %mul3A_374 = arith.muli %add3A_372, %mul3A_373 : i32
        %add3A_375 = arith.addi %mul3A_296, %mul3A_374 : i32
        %dma_start3A_376 = tpu.memref_slice %arg3[%add3A_375] : memref<320000xi32, #tpu.memory_space<hbm>> -> memref<128xi32, #tpu.memory_space<hbm>>
        %dma_start3A_377 = tpu.memref_slice %arg3[%add3A_375] : memref<320000xi32, #tpu.memory_space<hbm>> -> memref<128xi32, #tpu.memory_space<hbm>>
        tpu.enqueue_dma source(%dma_start3A_377 : memref<128xi32, #tpu.memory_space<hbm>>) target(%arg8 : memref<128xi32, #tpu.memory_space<vmem>>) target_semaphore(%arg17 : memref<!tpu.dma_semaphore, #tpu.memory_space<semaphore_mem>>)
        %dma_start3A_378 = arith.constant 0 : i32
        %dma_start3A_379 = tpu.memref_slice %arg2[%add3A_375, %dma_start3A_378] : memref<320000x128xf32, #tpu.memory_space<hbm>> -> memref<128x128xf32, #tpu.memory_space<hbm>>
        %dma_start3A_380 = arith.constant 0 : i32
        %dma_start3A_381 = tpu.memref_slice %arg2[%add3A_375, %dma_start3A_380] : memref<320000x128xf32, #tpu.memory_space<hbm>> -> memref<128x128xf32, #tpu.memory_space<hbm>>
        tpu.enqueue_dma source(%dma_start3A_381 : memref<128x128xf32, #tpu.memory_space<hbm>>) target(%arg10 : memref<128x128xf32, #tpu.memory_space<vmem>>) target_semaphore(%arg17 : memref<!tpu.dma_semaphore, #tpu.memory_space<semaphore_mem>>)
      } else {
      }
    }
    %scan3A_319 = arith.constant 39 : i32
    %add3A_320 = arith.constant 9984 : i32
    %add3A_321 = arith.addi %mul3A_296, %add3A_320 : i32
    "tpu.region"() ({
      %run_scoped3A = tpu.sem_alloc : memref<!tpu.dma_semaphore, #tpu.memory_space<semaphore_mem>>
      %dma_start3A_333 = tpu.memref_slice %arg3[%add3A_321] : memref<320000xi32, #tpu.memory_space<hbm>> -> memref<16xi32, #tpu.memory_space<hbm>>
      %dma_start3A_334 = tpu.memref_slice %arg3[%add3A_321] : memref<320000xi32, #tpu.memory_space<hbm>> -> memref<16xi32, #tpu.memory_space<hbm>>
      tpu.enqueue_dma source(%dma_start3A_334 : memref<16xi32, #tpu.memory_space<hbm>>) target(%arg11 : memref<16xi32, #tpu.memory_space<vmem>>) target_semaphore(%run_scoped3A : memref<!tpu.dma_semaphore, #tpu.memory_space<semaphore_mem>>)
      %dma_wait3A = tpu.memref_slice %arg3[%add3A_321] : memref<320000xi32, #tpu.memory_space<hbm>> -> memref<16xi32, #tpu.memory_space<hbm>>
      %dma_wait3A_335 = tpu.memref_slice %arg3[%add3A_321] : memref<320000xi32, #tpu.memory_space<hbm>> -> memref<16xi32, #tpu.memory_space<hbm>>
      tpu.wait_dma2 semaphore(%run_scoped3A : memref<!tpu.dma_semaphore, #tpu.memory_space<semaphore_mem>>) src(%dma_wait3A_335 : memref<16xi32, #tpu.memory_space<hbm>>) dst(%arg11 : memref<16xi32, #tpu.memory_space<vmem>>)
      tpu.yield
    }) : () -> ()
    "tpu.region"() ({
      %run_scoped3A = tpu.sem_alloc : memref<!tpu.dma_semaphore, #tpu.memory_space<semaphore_mem>>
      %dma_start3A_333 = arith.constant 0 : i32
      %dma_start3A_334 = arith.constant 0 : i32
      %dma_start3A_335 = tpu.memref_slice %arg9[%dma_start3A_333, %dma_start3A_334] : memref<128x128xf32, #tpu.memory_space<vmem>> -> memref<16x128xf32, #tpu.memory_space<vmem>>
      %dma_start3A_336 = arith.constant 0 : i32
      %dma_start3A_337 = tpu.memref_slice %arg2[%add3A_321, %dma_start3A_336] : memref<320000x128xf32, #tpu.memory_space<hbm>> -> memref<16x128xf32, #tpu.memory_space<hbm>>
      %dma_start3A_338 = arith.constant 0 : i32
      %dma_start3A_339 = arith.constant 0 : i32
      %dma_start3A_340 = tpu.memref_slice %arg9[%dma_start3A_338, %dma_start3A_339] : memref<128x128xf32, #tpu.memory_space<vmem>> -> memref<16x128xf32, #tpu.memory_space<vmem>>
      %dma_start3A_341 = arith.constant 0 : i32
      %dma_start3A_342 = tpu.memref_slice %arg2[%add3A_321, %dma_start3A_341] : memref<320000x128xf32, #tpu.memory_space<hbm>> -> memref<16x128xf32, #tpu.memory_space<hbm>>
      tpu.enqueue_dma source(%dma_start3A_342 : memref<16x128xf32, #tpu.memory_space<hbm>>) target(%dma_start3A_340 : memref<16x128xf32, #tpu.memory_space<vmem>>) target_semaphore(%run_scoped3A : memref<!tpu.dma_semaphore, #tpu.memory_space<semaphore_mem>>)
      %dma_wait3A = arith.constant 0 : i32
      %dma_wait3A_343 = arith.constant 0 : i32
      %dma_wait3A_344 = tpu.memref_slice %arg9[%dma_wait3A, %dma_wait3A_343] : memref<128x128xf32, #tpu.memory_space<vmem>> -> memref<16x128xf32, #tpu.memory_space<vmem>>
      %dma_wait3A_345 = arith.constant 0 : i32
      %dma_wait3A_346 = tpu.memref_slice %arg2[%add3A_321, %dma_wait3A_345] : memref<320000x128xf32, #tpu.memory_space<hbm>> -> memref<16x128xf32, #tpu.memory_space<hbm>>
      %dma_wait3A_347 = arith.constant 0 : i32
      %dma_wait3A_348 = arith.constant 0 : i32
      %dma_wait3A_349 = tpu.memref_slice %arg9[%dma_wait3A_347, %dma_wait3A_348] : memref<128x128xf32, #tpu.memory_space<vmem>> -> memref<16x128xf32, #tpu.memory_space<vmem>>
      %dma_wait3A_350 = arith.constant 0 : i32
      %dma_wait3A_351 = tpu.memref_slice %arg2[%add3A_321, %dma_wait3A_350] : memref<320000x128xf32, #tpu.memory_space<hbm>> -> memref<16x128xf32, #tpu.memory_space<hbm>>
      tpu.wait_dma2 semaphore(%run_scoped3A : memref<!tpu.dma_semaphore, #tpu.memory_space<semaphore_mem>>) src(%dma_wait3A_351 : memref<16x128xf32, #tpu.memory_space<hbm>>) dst(%dma_wait3A_349 : memref<16x128xf32, #tpu.memory_space<vmem>>)
      tpu.yield
    }) : () -> ()
    "tpu.region"() ({
      %run_scoped3A = tpu.sem_alloc : memref<!tpu.dma_semaphore, #tpu.memory_space<semaphore_mem>>
      %dma_start3A_333 = arith.constant 0 : i32
      %dma_start3A_334 = arith.constant 0 : i32
      %dma_start3A_335 = tpu.memref_slice %arg9[%dma_start3A_333, %dma_start3A_334] : memref<128x128xf32, #tpu.memory_space<vmem>> -> memref<16x128xf32, #tpu.memory_space<vmem>>
      %dma_start3A_336 = arith.constant 0 : i32
      %dma_start3A_337 = arith.constant 0 : i32
      %dma_start3A_338 = tpu.memref_slice %arg14[%dma_start3A_336, %dma_start3A_337] : memref<10000x128xf32, #tpu.memory_space<vmem_shared>> -> memref<10000x128xf32, #tpu.memory_space<vmem_shared>>
      tpu.enqueue_indirect_dma source(%dma_start3A_335 : memref<16x128xf32, #tpu.memory_space<vmem>>) target(%dma_start3A_338 : memref<10000x128xf32, #tpu.memory_space<vmem_shared>>) offsets(%arg11 : memref<16xi32, #tpu.memory_space<vmem>>) semaphore(%run_scoped3A : memref<!tpu.dma_semaphore, #tpu.memory_space<semaphore_mem>>) {add = true}
      %dma_wait3A = arith.constant 0 : i32
      %dma_wait3A_339 = arith.constant 0 : i32
      %dma_wait3A_340 = tpu.memref_slice %arg9[%dma_wait3A, %dma_wait3A_339] : memref<128x128xf32, #tpu.memory_space<vmem>> -> memref<16x128xf32, #tpu.memory_space<vmem>>
      %dma_wait3A_341 = arith.constant 0 : i32
      %dma_wait3A_342 = arith.constant 0 : i32
      %dma_wait3A_343 = tpu.memref_slice %arg14[%dma_wait3A_341, %dma_wait3A_342] : memref<10000x128xf32, #tpu.memory_space<vmem_shared>> -> memref<10000x128xf32, #tpu.memory_space<vmem_shared>>
      tpu.wait_indirect_dma semaphore(%run_scoped3A : memref<!tpu.dma_semaphore, #tpu.memory_space<semaphore_mem>>) src(%dma_wait3A_340 : memref<16x128xf32, #tpu.memory_space<vmem>>) dst(%dma_wait3A_343 : memref<10000x128xf32, #tpu.memory_space<vmem_shared>>)
      tpu.yield
    }) : () -> ()
    "tpu.region"() ({
      %run_scoped3A = tpu.sem_alloc : memref<!tpu.dma_semaphore, #tpu.memory_space<semaphore_mem>>
      %dma_start3A_333 = arith.constant 0 : i32
      %dma_start3A_334 = tpu.memref_slice %arg12[%dma_start3A_333] : memref<128xf32, #tpu.memory_space<vmem>> -> memref<16xf32, #tpu.memory_space<vmem>>
      %dma_start3A_335 = arith.constant 0 : i32
      %dma_start3A_336 = tpu.memref_slice %arg15[%dma_start3A_335] : memref<10000xf32, #tpu.memory_space<vmem_shared>> -> memref<10000xf32, #tpu.memory_space<vmem_shared>>
      tpu.enqueue_indirect_dma source(%dma_start3A_334 : memref<16xf32, #tpu.memory_space<vmem>>) target(%dma_start3A_336 : memref<10000xf32, #tpu.memory_space<vmem_shared>>) offsets(%arg11 : memref<16xi32, #tpu.memory_space<vmem>>) semaphore(%run_scoped3A : memref<!tpu.dma_semaphore, #tpu.memory_space<semaphore_mem>>) {add = true}
      %dma_wait3A = arith.constant 0 : i32
      %dma_wait3A_337 = tpu.memref_slice %arg12[%dma_wait3A] : memref<128xf32, #tpu.memory_space<vmem>> -> memref<16xf32, #tpu.memory_space<vmem>>
      %dma_wait3A_338 = arith.constant 0 : i32
      %dma_wait3A_339 = tpu.memref_slice %arg15[%dma_wait3A_338] : memref<10000xf32, #tpu.memory_space<vmem_shared>> -> memref<10000xf32, #tpu.memory_space<vmem_shared>>
      tpu.wait_indirect_dma semaphore(%run_scoped3A : memref<!tpu.dma_semaphore, #tpu.memory_space<semaphore_mem>>) src(%dma_wait3A_337 : memref<16xf32, #tpu.memory_space<vmem>>) dst(%dma_wait3A_339 : memref<10000xf32, #tpu.memory_space<vmem_shared>>)
      tpu.yield
    }) : () -> ()
    %barrier3A_322 = arith.constant 0 : index
    tpu.barrier barrier_id(%barrier3A_322)
    %lt3A_323 = arith.constant 15 : i32
    %lt3A_324 = arith.cmpi slt, %arg1, %lt3A_323 : i32
    %convert_element_type3A_325 = arith.extui %lt3A_324 : i1 to i32
    %cond3A_326 = arith.constant 0 : i32
    %cond3A_327 = arith.cmpi ne, %convert_element_type3A_325, %cond3A_326 : i32
    scf.if %cond3A_327 {
      "tpu.region"() ({
        %run_scoped3A = tpu.sem_alloc : memref<!tpu.dma_semaphore, #tpu.memory_space<semaphore_mem>>
        %dma_start3A_336 = arith.constant 0 : i32
        %dma_start3A_337 = tpu.memref_slice %arg5[%arg0, %mul3A_2, %dma_start3A_336] : memref<2x10000x128xf32, #tpu.memory_space<hbm>> -> memref<1x624x128xf32, #tpu.memory_space<hbm>>
        %dma_start3A_338 = tpu.memref_squeeze %dma_start3A_337 : memref<1x624x128xf32, #tpu.memory_space<hbm>> -> memref<624x128xf32, #tpu.memory_space<hbm>>
        %dma_start3A_339 = arith.constant 0 : i32
        %dma_start3A_340 = tpu.memref_slice %arg14[%mul3A_2, %dma_start3A_339] : memref<10000x128xf32, #tpu.memory_space<vmem_shared>> -> memref<624x128xf32, #tpu.memory_space<vmem_shared>>
        tpu.enqueue_dma source(%dma_start3A_340 : memref<624x128xf32, #tpu.memory_space<vmem_shared>>) target(%dma_start3A_338 : memref<624x128xf32, #tpu.memory_space<hbm>>) target_semaphore(%run_scoped3A : memref<!tpu.dma_semaphore, #tpu.memory_space<semaphore_mem>>)
        %dma_wait3A = arith.constant 0 : i32
        %dma_wait3A_341 = tpu.memref_slice %arg5[%arg0, %mul3A_2, %dma_wait3A] : memref<2x10000x128xf32, #tpu.memory_space<hbm>> -> memref<1x624x128xf32, #tpu.memory_space<hbm>>
        %dma_wait3A_342 = tpu.memref_squeeze %dma_wait3A_341 : memref<1x624x128xf32, #tpu.memory_space<hbm>> -> memref<624x128xf32, #tpu.memory_space<hbm>>
        %dma_wait3A_343 = arith.constant 0 : i32
        %dma_wait3A_344 = tpu.memref_slice %arg14[%mul3A_2, %dma_wait3A_343] : memref<10000x128xf32, #tpu.memory_space<vmem_shared>> -> memref<624x128xf32, #tpu.memory_space<vmem_shared>>
        tpu.wait_dma2 semaphore(%run_scoped3A : memref<!tpu.dma_semaphore, #tpu.memory_space<semaphore_mem>>) src(%dma_wait3A_344 : memref<624x128xf32, #tpu.memory_space<vmem_shared>>) dst(%dma_wait3A_342 : memref<624x128xf32, #tpu.memory_space<hbm>>)
        tpu.yield
      }) : () -> ()
      "tpu.region"() ({
        %run_scoped3A = tpu.sem_alloc : memref<!tpu.dma_semaphore, #tpu.memory_space<semaphore_mem>>
        %dma_start3A_336 = arith.constant 0 : i32
        %dma_start3A_337 = tpu.memref_slice %arg13[%dma_start3A_336] : memref<640xf32, #tpu.memory_space<vmem>> -> memref<624xf32, #tpu.memory_space<vmem>>
        %dma_start3A_338 = tpu.memref_slice %arg15[%mul3A_2] : memref<10000xf32, #tpu.memory_space<vmem_shared>> -> memref<624xf32, #tpu.memory_space<vmem_shared>>
        %dma_start3A_339 = arith.constant 0 : i32
        %dma_start3A_340 = tpu.memref_slice %arg13[%dma_start3A_339] : memref<640xf32, #tpu.memory_space<vmem>> -> memref<624xf32, #tpu.memory_space<vmem>>
        %dma_start3A_341 = tpu.memref_slice %arg15[%mul3A_2] : memref<10000xf32, #tpu.memory_space<vmem_shared>> -> memref<624xf32, #tpu.memory_space<vmem_shared>>
        tpu.enqueue_dma source(%dma_start3A_341 : memref<624xf32, #tpu.memory_space<vmem_shared>>) target(%dma_start3A_340 : memref<624xf32, #tpu.memory_space<vmem>>) target_semaphore(%run_scoped3A : memref<!tpu.dma_semaphore, #tpu.memory_space<semaphore_mem>>)
        %dma_wait3A = arith.constant 0 : i32
        %dma_wait3A_342 = tpu.memref_slice %arg13[%dma_wait3A] : memref<640xf32, #tpu.memory_space<vmem>> -> memref<624xf32, #tpu.memory_space<vmem>>
        %dma_wait3A_343 = tpu.memref_slice %arg15[%mul3A_2] : memref<10000xf32, #tpu.memory_space<vmem_shared>> -> memref<624xf32, #tpu.memory_space<vmem_shared>>
        %dma_wait3A_344 = arith.constant 0 : i32
        %dma_wait3A_345 = tpu.memref_slice %arg13[%dma_wait3A_344] : memref<640xf32, #tpu.memory_space<vmem>> -> memref<624xf32, #tpu.memory_space<vmem>>
        %dma_wait3A_346 = tpu.memref_slice %arg15[%mul3A_2] : memref<10000xf32, #tpu.memory_space<vmem_shared>> -> memref<624xf32, #tpu.memory_space<vmem_shared>>
        tpu.wait_dma2 semaphore(%run_scoped3A : memref<!tpu.dma_semaphore, #tpu.memory_space<semaphore_mem>>) src(%dma_wait3A_346 : memref<624xf32, #tpu.memory_space<vmem_shared>>) dst(%dma_wait3A_345 : memref<624xf32, #tpu.memory_space<vmem>>)
        tpu.yield
      }) : () -> ()
      %mul3A_333 = arith.constant 10000 : i32
      %mul3A_334 = arith.muli %arg0, %mul3A_333 : i32
      %add3A_335 = arith.addi %mul3A_334, %mul3A_2 : i32
      "tpu.region"() ({
        %run_scoped3A = tpu.sem_alloc : memref<!tpu.dma_semaphore, #tpu.memory_space<semaphore_mem>>
        %dma_start3A_336 = arith.constant 0 : i32
        %dma_start3A_337 = tpu.memref_slice %arg13[%dma_start3A_336] : memref<640xf32, #tpu.memory_space<vmem>> -> memref<624xf32, #tpu.memory_space<vmem>>
        %dma_start3A_338 = tpu.memref_slice %arg6[%add3A_335] : memref<20000xf32, #tpu.memory_space<hbm>> -> memref<624xf32, #tpu.memory_space<hbm>>
        %dma_start3A_339 = tpu.memref_slice %arg6[%add3A_335] : memref<20000xf32, #tpu.memory_space<hbm>> -> memref<624xf32, #tpu.memory_space<hbm>>
        %dma_start3A_340 = arith.constant 0 : i32
        %dma_start3A_341 = tpu.memref_slice %arg13[%dma_start3A_340] : memref<640xf32, #tpu.memory_space<vmem>> -> memref<624xf32, #tpu.memory_space<vmem>>
        tpu.enqueue_dma source(%dma_start3A_341 : memref<624xf32, #tpu.memory_space<vmem>>) target(%dma_start3A_339 : memref<624xf32, #tpu.memory_space<hbm>>) target_semaphore(%run_scoped3A : memref<!tpu.dma_semaphore, #tpu.memory_space<semaphore_mem>>)
        %dma_wait3A = arith.constant 0 : i32
        %dma_wait3A_342 = tpu.memref_slice %arg13[%dma_wait3A] : memref<640xf32, #tpu.memory_space<vmem>> -> memref<624xf32, #tpu.memory_space<vmem>>
        %dma_wait3A_343 = tpu.memref_slice %arg6[%add3A_335] : memref<20000xf32, #tpu.memory_space<hbm>> -> memref<624xf32, #tpu.memory_space<hbm>>
        %dma_wait3A_344 = tpu.memref_slice %arg6[%add3A_335] : memref<20000xf32, #tpu.memory_space<hbm>> -> memref<624xf32, #tpu.memory_space<hbm>>
        %dma_wait3A_345 = arith.constant 0 : i32
        %dma_wait3A_346 = tpu.memref_slice %arg13[%dma_wait3A_345] : memref<640xf32, #tpu.memory_space<vmem>> -> memref<624xf32, #tpu.memory_space<vmem>>
        tpu.wait_dma2 semaphore(%run_scoped3A : memref<!tpu.dma_semaphore, #tpu.memory_space<semaphore_mem>>) src(%dma_wait3A_346 : memref<624xf32, #tpu.memory_space<vmem>>) dst(%dma_wait3A_344 : memref<624xf32, #tpu.memory_space<hbm>>)
        tpu.yield
      }) : () -> ()
    } else {
    }
    %eq3A_328 = arith.constant 15 : i32
    %eq3A_329 = arith.cmpi eq, %arg1, %eq3A_328 : i32
    %convert_element_type3A_330 = arith.extui %eq3A_329 : i1 to i32
    %cond3A_331 = arith.constant 0 : i32
    %cond3A_332 = arith.cmpi ne, %convert_element_type3A_330, %cond3A_331 : i32
    scf.if %cond3A_332 {
      "tpu.region"() ({
        %run_scoped3A = tpu.sem_alloc : memref<!tpu.dma_semaphore, #tpu.memory_space<semaphore_mem>>
        %dma_start3A_337 = arith.constant 9360 : i32
        %dma_start3A_338 = arith.constant 0 : i32
        %dma_start3A_339 = tpu.memref_slice %arg5[%arg0, %dma_start3A_337, %dma_start3A_338] : memref<2x10000x128xf32, #tpu.memory_space<hbm>> -> memref<1x640x128xf32, #tpu.memory_space<hbm>>
        %dma_start3A_340 = tpu.memref_squeeze %dma_start3A_339 : memref<1x640x128xf32, #tpu.memory_space<hbm>> -> memref<640x128xf32, #tpu.memory_space<hbm>>
        %dma_start3A_341 = arith.constant 9360 : i32
        %dma_start3A_342 = arith.constant 0 : i32
        %dma_start3A_343 = tpu.memref_slice %arg14[%dma_start3A_341, %dma_start3A_342] : memref<10000x128xf32, #tpu.memory_space<vmem_shared>> -> memref<640x128xf32, #tpu.memory_space<vmem_shared>>
        tpu.enqueue_dma source(%dma_start3A_343 : memref<640x128xf32, #tpu.memory_space<vmem_shared>>) target(%dma_start3A_340 : memref<640x128xf32, #tpu.memory_space<hbm>>) target_semaphore(%run_scoped3A : memref<!tpu.dma_semaphore, #tpu.memory_space<semaphore_mem>>)
        %dma_wait3A = arith.constant 9360 : i32
        %dma_wait3A_344 = arith.constant 0 : i32
        %dma_wait3A_345 = tpu.memref_slice %arg5[%arg0, %dma_wait3A, %dma_wait3A_344] : memref<2x10000x128xf32, #tpu.memory_space<hbm>> -> memref<1x640x128xf32, #tpu.memory_space<hbm>>
        %dma_wait3A_346 = tpu.memref_squeeze %dma_wait3A_345 : memref<1x640x128xf32, #tpu.memory_space<hbm>> -> memref<640x128xf32, #tpu.memory_space<hbm>>
        %dma_wait3A_347 = arith.constant 9360 : i32
        %dma_wait3A_348 = arith.constant 0 : i32
        %dma_wait3A_349 = tpu.memref_slice %arg14[%dma_wait3A_347, %dma_wait3A_348] : memref<10000x128xf32, #tpu.memory_space<vmem_shared>> -> memref<640x128xf32, #tpu.memory_space<vmem_shared>>
        tpu.wait_dma2 semaphore(%run_scoped3A : memref<!tpu.dma_semaphore, #tpu.memory_space<semaphore_mem>>) src(%dma_wait3A_349 : memref<640x128xf32, #tpu.memory_space<vmem_shared>>) dst(%dma_wait3A_346 : memref<640x128xf32, #tpu.memory_space<hbm>>)
        tpu.yield
      }) : () -> ()
      "tpu.region"() ({
        %run_scoped3A = tpu.sem_alloc : memref<!tpu.dma_semaphore, #tpu.memory_space<semaphore_mem>>
        %dma_start3A_337 = arith.constant 9360 : i32
        %dma_start3A_338 = tpu.memref_slice %arg15[%dma_start3A_337] : memref<10000xf32, #tpu.memory_space<vmem_shared>> -> memref<640xf32, #tpu.memory_space<vmem_shared>>
        %dma_start3A_339 = arith.constant 9360 : i32
        %dma_start3A_340 = tpu.memref_slice %arg15[%dma_start3A_339] : memref<10000xf32, #tpu.memory_space<vmem_shared>> -> memref<640xf32, #tpu.memory_space<vmem_shared>>
        tpu.enqueue_dma source(%dma_start3A_340 : memref<640xf32, #tpu.memory_space<vmem_shared>>) target(%arg13 : memref<640xf32, #tpu.memory_space<vmem>>) target_semaphore(%run_scoped3A : memref<!tpu.dma_semaphore, #tpu.memory_space<semaphore_mem>>)
        %dma_wait3A = arith.constant 9360 : i32
        %dma_wait3A_341 = tpu.memref_slice %arg15[%dma_wait3A] : memref<10000xf32, #tpu.memory_space<vmem_shared>> -> memref<640xf32, #tpu.memory_space<vmem_shared>>
        %dma_wait3A_342 = arith.constant 9360 : i32
        %dma_wait3A_343 = tpu.memref_slice %arg15[%dma_wait3A_342] : memref<10000xf32, #tpu.memory_space<vmem_shared>> -> memref<640xf32, #tpu.memory_space<vmem_shared>>
        tpu.wait_dma2 semaphore(%run_scoped3A : memref<!tpu.dma_semaphore, #tpu.memory_space<semaphore_mem>>) src(%dma_wait3A_343 : memref<640xf32, #tpu.memory_space<vmem_shared>>) dst(%arg13 : memref<640xf32, #tpu.memory_space<vmem>>)
        tpu.yield
      }) : () -> ()
      %mul3A_333 = arith.constant 10000 : i32
      %mul3A_334 = arith.muli %arg0, %mul3A_333 : i32
      %add3A_335 = arith.constant 9360 : i32
      %add3A_336 = arith.addi %mul3A_334, %add3A_335 : i32
      "tpu.region"() ({
        %run_scoped3A = tpu.sem_alloc : memref<!tpu.dma_semaphore, #tpu.memory_space<semaphore_mem>>
        %dma_start3A_337 = tpu.memref_slice %arg6[%add3A_336] : memref<20000xf32, #tpu.memory_space<hbm>> -> memref<640xf32, #tpu.memory_space<hbm>>
        %dma_start3A_338 = tpu.memref_slice %arg6[%add3A_336] : memref<20000xf32, #tpu.memory_space<hbm>> -> memref<640xf32, #tpu.memory_space<hbm>>
        tpu.enqueue_dma source(%arg13 : memref<640xf32, #tpu.memory_space<vmem>>) target(%dma_start3A_338 : memref<640xf32, #tpu.memory_space<hbm>>) target_semaphore(%run_scoped3A : memref<!tpu.dma_semaphore, #tpu.memory_space<semaphore_mem>>)
        %dma_wait3A = tpu.memref_slice %arg6[%add3A_336] : memref<20000xf32, #tpu.memory_space<hbm>> -> memref<640xf32, #tpu.memory_space<hbm>>
        %dma_wait3A_339 = tpu.memref_slice %arg6[%add3A_336] : memref<20000xf32, #tpu.memory_space<hbm>> -> memref<640xf32, #tpu.memory_space<hbm>>
        tpu.wait_dma2 semaphore(%run_scoped3A : memref<!tpu.dma_semaphore, #tpu.memory_space<semaphore_mem>>) src(%arg13 : memref<640xf32, #tpu.memory_space<vmem>>) dst(%dma_wait3A_339 : memref<640xf32, #tpu.memory_space<hbm>>)
        tpu.yield
      }) : () -> ()
    } else {
    }
    return
  }
}

module attributes {stable_mosaic.version = 14 : i64} {
  func.func @body(%arg0: memref<10000x128xf32, #tpu.memory_space<vmem>>, %arg1: memref<128x128xf32, #tpu.memory_space<vmem>>, %arg2: memref<10000x128xf32, #tpu.memory_space<vmem>>) attributes {dimension_semantics = [], scalar_prefetch = 0 : i64, scratch_operands = 0 : i64, tpu.core_type = #tpu.core_type<tc>} {
    %get3A = arith.constant 0 : index
    %get3A_0 = arith.constant 0 : index
    %get3A_1 = vector.load %arg0[%get3A, %get3A_0] : memref<10000x128xf32, #tpu.memory_space<vmem>>, vector<10000x128xf32>
    %get3A_2 = arith.constant 0 : index
    %get3A_3 = arith.constant 0 : index
    %get3A_4 = vector.load %arg1[%get3A_2, %get3A_3] : memref<128x128xf32, #tpu.memory_space<vmem>>, vector<128x128xf32>
    %dot_general3A = arith.constant dense<0.000000e+00> : vector<10000x128xf32>
    %dot_general3A_5 = tpu.matmul %get3A_1, %get3A_4, %dot_general3A {dimension_numbers = #tpu.dot_dimension_numbers<[1], [0], [0], [1], [0, 0, 1, 1], [], []>, transpose_lhs_hint = false} : vector<10000x128xf32>, vector<128x128xf32>, vector<10000x128xf32> -> vector<10000x128xf32>
    %swap3A = arith.constant 0 : index
    %swap3A_6 = arith.constant 0 : index
    %swap3A_7 = vector.load %arg2[%swap3A, %swap3A_6] : memref<10000x128xf32, #tpu.memory_space<vmem>>, vector<10000x128xf32>
    tpu.vector_store %arg2[%swap3A, %swap3A_6], %dot_general3A_5 {strides = array<i32>} : memref<10000x128xf32, #tpu.memory_space<vmem>>, vector<10000x128xf32>,
    return
  }
}

module attributes {stable_mosaic.version = 14 : i64} {
  func.func @body(%arg0: i32, %arg1: memref<3200x128xf32, #tpu.memory_space<vmem>>, %arg2: memref<3200x128xf32, #tpu.memory_space<vmem>>, %arg3: memref<128x128xf32, #tpu.memory_space<vmem>>, %arg4: memref<1x128xf32, #tpu.memory_space<vmem>>, %arg5: memref<3200x128xbf16, #tpu.memory_space<vmem>>, %arg6: memref<8x128xf32, #tpu.memory_space<vmem>>, %arg7: memref<1x128xf32, #tpu.memory_space<vmem>>, %arg8: memref<1x128xf32, #tpu.memory_space<vmem>>) attributes {dimension_semantics = [#tpu.dimension_semantics<arbitrary>], iteration_bounds = array<i64: 100>, scalar_prefetch = 0 : i64, scratch_operands = 2 : i64, tpu.core_type = #tpu.core_type<tc>, window_params = [{transform_indices = @transform_0, window_bounds = array<i64: 3200, 128>}, {transform_indices = @transform_1, window_bounds = array<i64: 3200, 128>}, {pipeline_mode = #tpu.pipeline_mode<synchronous>, transform_indices = @transform_2, window_bounds = array<i64: 128, 128>}, {pipeline_mode = #tpu.pipeline_mode<synchronous>, transform_indices = @transform_3, window_bounds = array<i64: 1, 128>}, {transform_indices = @transform_4, window_bounds = array<i64: 3200, 128>}, {pipeline_mode = #tpu.pipeline_mode<synchronous>, transform_indices = @transform_5, window_bounds = array<i64: 8, 128>}]} {
    %eq3A = arith.constant 0 : i32
    %eq3A_0 = arith.cmpi eq, %arg0, %eq3A : i32
    %convert_element_type3A = arith.extui %eq3A_0 : i1 to i32
    %cond3A = arith.constant 0 : i32
    %cond3A_1 = arith.cmpi ne, %convert_element_type3A, %cond3A : i32
    scf.if %cond3A_1 {
      %broadcast_in_dim3A_49 = arith.constant 0.000000e+00 : f32
      %broadcast_in_dim3A_50 = vector.broadcast %broadcast_in_dim3A_49 : f32 to vector<1x128xf32>
      %swap3A_51 = arith.constant 0 : index
      %swap3A_52 = arith.constant 0 : index
      %swap3A_53 = vector.load %arg7[%swap3A_51, %swap3A_52] : memref<1x128xf32, #tpu.memory_space<vmem>>, vector<1x128xf32>
      tpu.vector_store %arg7[%swap3A_51, %swap3A_52], %broadcast_in_dim3A_50 {strides = array<i32>} : memref<1x128xf32, #tpu.memory_space<vmem>>, vector<1x128xf32>,
      %broadcast_in_dim3A_54 = arith.constant 0.000000e+00 : f32
      %broadcast_in_dim3A_55 = vector.broadcast %broadcast_in_dim3A_54 : f32 to vector<1x128xf32>
      %swap3A_56 = arith.constant 0 : index
      %swap3A_57 = arith.constant 0 : index
      %swap3A_58 = vector.load %arg8[%swap3A_56, %swap3A_57] : memref<1x128xf32, #tpu.memory_space<vmem>>, vector<1x128xf32>
      tpu.vector_store %arg8[%swap3A_56, %swap3A_57], %broadcast_in_dim3A_55 {strides = array<i32>} : memref<1x128xf32, #tpu.memory_space<vmem>>, vector<1x128xf32>,
    } else {
    }
    %get3A = arith.constant 0 : index
    %get3A_2 = arith.constant 0 : index
    %get3A_3 = vector.load %arg1[%get3A, %get3A_2] : memref<3200x128xf32, #tpu.memory_space<vmem>>, vector<3200x128xf32>
    %get3A_4 = arith.constant 0 : index
    %get3A_5 = arith.constant 0 : index
    %get3A_6 = vector.load %arg2[%get3A_4, %get3A_5] : memref<3200x128xf32, #tpu.memory_space<vmem>>, vector<3200x128xf32>
    %get3A_7 = arith.constant 0 : index
    %get3A_8 = arith.constant 0 : index
    %get3A_9 = vector.load %arg3[%get3A_7, %get3A_8] : memref<128x128xf32, #tpu.memory_space<vmem>>, vector<128x128xf32>
    %dot_general3A = arith.constant dense<0.000000e+00> : vector<3200x128xf32>
    %dot_general3A_10 = tpu.matmul %get3A_6, %get3A_9, %dot_general3A {dimension_numbers = #tpu.dot_dimension_numbers<[1], [0], [0], [1], [0, 0, 1, 1], [], []>, transpose_lhs_hint = false} : vector<3200x128xf32>, vector<128x128xf32>, vector<3200x128xf32> -> vector<3200x128xf32>
    %add3A = arith.addf %get3A_3, %dot_general3A_10 : vector<3200x128xf32>
    %get3A_11 = arith.constant 0 : index
    %get3A_12 = arith.constant 0 : index
    %get3A_13 = vector.load %arg4[%get3A_11, %get3A_12] : memref<1x128xf32, #tpu.memory_space<vmem>>, vector<1x128xf32>
    %add3A_14 = vector.broadcast %get3A_13 : vector<1x128xf32> to vector<3200x128xf32>
    %add3A_15 = arith.addf %add3A, %add3A_14 : vector<3200x128xf32>
    %convert_element_type3A_16 = arith.truncf %add3A_15 : vector<3200x128xf32> to vector<3200x128xbf16>
    %swap3A = arith.constant 0 : index
    %swap3A_17 = arith.constant 0 : index
    %swap3A_18 = vector.load %arg5[%swap3A, %swap3A_17] : memref<3200x128xbf16, #tpu.memory_space<vmem>>, vector<3200x128xbf16>
    tpu.vector_store %arg5[%swap3A, %swap3A_17], %convert_element_type3A_16 {strides = array<i32>} : memref<3200x128xbf16, #tpu.memory_space<vmem>>, vector<3200x128xbf16>,
    %get3A_19 = arith.constant 0 : index
    %get3A_20 = arith.constant 0 : index
    %get3A_21 = vector.load %arg7[%get3A_19, %get3A_20] : memref<1x128xf32, #tpu.memory_space<vmem>>, vector<1x128xf32>
    %reduce_sum3A = arith.constant dense<0.000000e+00> : vector<128xf32>
    %reduce_sum3A_22 = vector.multi_reduction <add>, %add3A_15, %reduce_sum3A [0] : vector<3200x128xf32> to vector<128xf32>
    %broadcast_in_dim3A = vector.shape_cast %reduce_sum3A_22 : vector<128xf32> to vector<1x128xf32>
    %add3A_23 = arith.addf %get3A_21, %broadcast_in_dim3A : vector<1x128xf32>
    %swap3A_24 = arith.constant 0 : index
    %swap3A_25 = arith.constant 0 : index
    %swap3A_26 = vector.load %arg7[%swap3A_24, %swap3A_25] : memref<1x128xf32, #tpu.memory_space<vmem>>, vector<1x128xf32>
    tpu.vector_store %arg7[%swap3A_24, %swap3A_25], %add3A_23 {strides = array<i32>} : memref<1x128xf32, #tpu.memory_space<vmem>>, vector<1x128xf32>,
    %get3A_27 = arith.constant 0 : index
    %get3A_28 = arith.constant 0 : index
    %get3A_29 = vector.load %arg8[%get3A_27, %get3A_28] : memref<1x128xf32, #tpu.memory_space<vmem>>, vector<1x128xf32>
    %mul3A = arith.mulf %add3A_15, %add3A_15 : vector<3200x128xf32>
    %reduce_sum3A_30 = arith.constant dense<0.000000e+00> : vector<128xf32>
    %reduce_sum3A_31 = vector.multi_reduction <add>, %mul3A, %reduce_sum3A_30 [0] : vector<3200x128xf32> to vector<128xf32>
    %broadcast_in_dim3A_32 = vector.shape_cast %reduce_sum3A_31 : vector<128xf32> to vector<1x128xf32>
    %add3A_33 = arith.addf %get3A_29, %broadcast_in_dim3A_32 : vector<1x128xf32>
    %swap3A_34 = arith.constant 0 : index
    %swap3A_35 = arith.constant 0 : index
    %swap3A_36 = vector.load %arg8[%swap3A_34, %swap3A_35] : memref<1x128xf32, #tpu.memory_space<vmem>>, vector<1x128xf32>
    tpu.vector_store %arg8[%swap3A_34, %swap3A_35], %add3A_33 {strides = array<i32>} : memref<1x128xf32, #tpu.memory_space<vmem>>, vector<1x128xf32>,
    %get3A_37 = arith.constant 0 : index
    %get3A_38 = arith.constant 0 : index
    %get3A_39 = vector.load %arg7[%get3A_37, %get3A_38] : memref<1x128xf32, #tpu.memory_space<vmem>>, vector<1x128xf32>
    %swap3A_40 = arith.constant 0 : index
    %swap3A_41 = arith.constant 0 : index
    %swap3A_42 = vector.load %arg6[%swap3A_40, %swap3A_41] : memref<8x128xf32, #tpu.memory_space<vmem>>, vector<1x128xf32>
    tpu.vector_store %arg6[%swap3A_40, %swap3A_41], %get3A_39 {strides = array<i32>} : memref<8x128xf32, #tpu.memory_space<vmem>>, vector<1x128xf32>,
    %get3A_43 = arith.constant 0 : index
    %get3A_44 = arith.constant 0 : index
    %get3A_45 = vector.load %arg8[%get3A_43, %get3A_44] : memref<1x128xf32, #tpu.memory_space<vmem>>, vector<1x128xf32>
    %swap3A_46 = arith.constant 1 : index
    %swap3A_47 = arith.constant 0 : index
    %swap3A_48 = vector.load %arg6[%swap3A_46, %swap3A_47] : memref<8x128xf32, #tpu.memory_space<vmem>>, vector<1x128xf32>
    tpu.vector_store %arg6[%swap3A_46, %swap3A_47], %get3A_45 {strides = array<i32>} : memref<8x128xf32, #tpu.memory_space<vmem>>, vector<1x128xf32>,
    return
  }
  func.func @transform_0(%arg0: i32) -> (i32, i32) {
    %c0_i32 = arith.constant 0 : i32
    %c0_i32_0 = arith.constant 0 : i32
    return %arg0, %c0_i32 : i32, i32
  }
  func.func @transform_1(%arg0: i32) -> (i32, i32) {
    %c0_i32 = arith.constant 0 : i32
    %c0_i32_0 = arith.constant 0 : i32
    return %arg0, %c0_i32 : i32, i32
  }
  func.func @transform_2(%arg0: i32) -> (i32, i32) {
    %c0_i32 = arith.constant 0 : i32
    %c0_i32_0 = arith.constant 0 : i32
    %c0_i32_1 = arith.constant 0 : i32
    return %c0_i32, %c0_i32_0 : i32, i32
  }
  func.func @transform_3(%arg0: i32) -> (i32, i32) {
    %c0_i32 = arith.constant 0 : i32
    %c0_i32_0 = arith.constant 0 : i32
    %c0_i32_1 = arith.constant 0 : i32
    return %c0_i32, %c0_i32_0 : i32, i32
  }
  func.func @transform_4(%arg0: i32) -> (i32, i32) {
    %c0_i32 = arith.constant 0 : i32
    %c0_i32_0 = arith.constant 0 : i32
    return %arg0, %c0_i32 : i32, i32
  }
  func.func @transform_5(%arg0: i32) -> (i32, i32) {
    %c0_i32 = arith.constant 0 : i32
    %c0_i32_0 = arith.constant 0 : i32
    %c0_i32_1 = arith.constant 0 : i32
    return %c0_i32, %c0_i32_0 : i32, i32
  }
}

module attributes {stable_mosaic.version = 14 : i64} {
  func.func @body(%arg0: i32, %arg1: memref<3200x128xbf16, #tpu.memory_space<vmem>>, %arg2: memref<8x128xf32, #tpu.memory_space<vmem>>, %arg3: memref<1x128xf32, #tpu.memory_space<vmem>>, %arg4: memref<1x128xf32, #tpu.memory_space<vmem>>, %arg5: memref<3200x128xf32, #tpu.memory_space<vmem>>) attributes {dimension_semantics = [#tpu.dimension_semantics<arbitrary>], iteration_bounds = array<i64: 100>, scalar_prefetch = 0 : i64, scratch_operands = 0 : i64, tpu.core_type = #tpu.core_type<tc>, window_params = [{transform_indices = @transform_0, window_bounds = array<i64: 3200, 128>}, {pipeline_mode = #tpu.pipeline_mode<synchronous>, transform_indices = @transform_1, window_bounds = array<i64: 8, 128>}, {pipeline_mode = #tpu.pipeline_mode<synchronous>, transform_indices = @transform_2, window_bounds = array<i64: 1, 128>}, {pipeline_mode = #tpu.pipeline_mode<synchronous>, transform_indices = @transform_3, window_bounds = array<i64: 1, 128>}, {transform_indices = @transform_4, window_bounds = array<i64: 3200, 128>}]} {
    %get3A = arith.constant 0 : index
    %get3A_0 = arith.constant 0 : index
    %get3A_1 = vector.load %arg2[%get3A, %get3A_0] : memref<8x128xf32, #tpu.memory_space<vmem>>, vector<8x128xf32>
    %slice3A = vector.extract_strided_slice %get3A_1 {offsets = [0, 0], sizes = [1, 128], strides = [1, 1]} : vector<8x128xf32> to vector<1x128xf32>
    %mul3A = arith.constant 3.125000e-06 : f32
    %mul3A_2 = vector.broadcast %mul3A : f32 to vector<1x128xf32>
    %mul3A_3 = arith.mulf %slice3A, %mul3A_2 : vector<1x128xf32>
    %slice3A_4 = vector.extract_strided_slice %get3A_1 {offsets = [1, 0], sizes = [1, 128], strides = [1, 1]} : vector<8x128xf32> to vector<1x128xf32>
    %mul3A_5 = arith.constant 3.125000e-06 : f32
    %mul3A_6 = vector.broadcast %mul3A_5 : f32 to vector<1x128xf32>
    %mul3A_7 = arith.mulf %slice3A_4, %mul3A_6 : vector<1x128xf32>
    %mul3A_8 = arith.mulf %mul3A_3, %mul3A_3 : vector<1x128xf32>
    %sub3A = arith.subf %mul3A_7, %mul3A_8 : vector<1x128xf32>
    %add3A = arith.constant 9.99999974E-6 : f32
    %add3A_9 = vector.broadcast %add3A : f32 to vector<1x128xf32>
    %add3A_10 = arith.addf %sub3A, %add3A_9 : vector<1x128xf32>
    %rsqrt3A = math.rsqrt %add3A_10 : vector<1x128xf32>
    %get3A_11 = arith.constant 0 : index
    %get3A_12 = arith.constant 0 : index
    %get3A_13 = vector.load %arg3[%get3A_11, %get3A_12] : memref<1x128xf32, #tpu.memory_space<vmem>>, vector<1x128xf32>
    %mul3A_14 = arith.mulf %get3A_13, %rsqrt3A : vector<1x128xf32>
    %get3A_15 = arith.constant 0 : index
    %get3A_16 = arith.constant 0 : index
    %get3A_17 = vector.load %arg4[%get3A_15, %get3A_16] : memref<1x128xf32, #tpu.memory_space<vmem>>, vector<1x128xf32>
    %mul3A_18 = arith.mulf %mul3A_3, %mul3A_14 : vector<1x128xf32>
    %sub3A_19 = arith.subf %get3A_17, %mul3A_18 : vector<1x128xf32>
    %get3A_20 = arith.constant 0 : index
    %get3A_21 = arith.constant 0 : index
    %get3A_22 = vector.load %arg1[%get3A_20, %get3A_21] : memref<3200x128xbf16, #tpu.memory_space<vmem>>, vector<3200x128xbf16>
    %convert_element_type3A = arith.extf %get3A_22 : vector<3200x128xbf16> to vector<3200x128xf32>
    %mul3A_23 = vector.broadcast %mul3A_14 : vector<1x128xf32> to vector<3200x128xf32>
    %mul3A_24 = arith.mulf %convert_element_type3A, %mul3A_23 : vector<3200x128xf32>
    %add3A_25 = vector.broadcast %sub3A_19 : vector<1x128xf32> to vector<3200x128xf32>
    %add3A_26 = arith.addf %mul3A_24, %add3A_25 : vector<3200x128xf32>
    %logistic3A = arith.negf %add3A_26 : vector<3200x128xf32>
    %logistic3A_27 = math.exp %logistic3A : vector<3200x128xf32>
    %logistic3A_28 = arith.constant 1.000000e+00 : f32
    %logistic3A_29 = vector.broadcast %logistic3A_28 : f32 to vector<3200x128xf32>
    %logistic3A_30 = arith.addf %logistic3A_29, %logistic3A_27 : vector<3200x128xf32>
    %logistic3A_31 = arith.divf %logistic3A_29, %logistic3A_30 : vector<3200x128xf32>
    %mul3A_32 = arith.mulf %add3A_26, %logistic3A_31 : vector<3200x128xf32>
    %swap3A = arith.constant 0 : index
    %swap3A_33 = arith.constant 0 : index
    %swap3A_34 = vector.load %arg5[%swap3A, %swap3A_33] : memref<3200x128xf32, #tpu.memory_space<vmem>>, vector<3200x128xf32>
    tpu.vector_store %arg5[%swap3A, %swap3A_33], %mul3A_32 {strides = array<i32>} : memref<3200x128xf32, #tpu.memory_space<vmem>>, vector<3200x128xf32>,
    return
  }
  func.func @transform_0(%arg0: i32) -> (i32, i32) {
    %c0_i32 = arith.constant 0 : i32
    %c0_i32_0 = arith.constant 0 : i32
    return %arg0, %c0_i32 : i32, i32
  }
  func.func @transform_1(%arg0: i32) -> (i32, i32) {
    %c0_i32 = arith.constant 0 : i32
    %c0_i32_0 = arith.constant 0 : i32
    %c0_i32_1 = arith.constant 0 : i32
    return %c0_i32, %c0_i32_0 : i32, i32
  }
  func.func @transform_2(%arg0: i32) -> (i32, i32) {
    %c0_i32 = arith.constant 0 : i32
    %c0_i32_0 = arith.constant 0 : i32
    %c0_i32_1 = arith.constant 0 : i32
    return %c0_i32, %c0_i32_0 : i32, i32
  }
  func.func @transform_3(%arg0: i32) -> (i32, i32) {
    %c0_i32 = arith.constant 0 : i32
    %c0_i32_0 = arith.constant 0 : i32
    %c0_i32_1 = arith.constant 0 : i32
    return %c0_i32, %c0_i32_0 : i32, i32
  }
  func.func @transform_4(%arg0: i32) -> (i32, i32) {
    %c0_i32 = arith.constant 0 : i32
    %c0_i32_0 = arith.constant 0 : i32
    return %arg0, %c0_i32 : i32, i32
  }
}

module attributes {stable_mosaic.version = 14 : i64} {
  func.func @body(%arg0: memref<10000x128xf32, #tpu.memory_space<vmem>>, %arg1: memref<2x10000x128xf32, #tpu.memory_space<vmem>>, %arg2: memref<10000x2xf32, #tpu.memory_space<vmem>>, %arg3: memref<128x128xf32, #tpu.memory_space<vmem>>, %arg4: memref<128x128xf32, #tpu.memory_space<vmem>>, %arg5: memref<1x128xf32, #tpu.memory_space<vmem>>, %arg6: memref<1x128xf32, #tpu.memory_space<vmem>>, %arg7: memref<1x128xf32, #tpu.memory_space<vmem>>, %arg8: memref<10000x128xf32, #tpu.memory_space<vmem>>) attributes {dimension_semantics = [], scalar_prefetch = 0 : i64, scratch_operands = 0 : i64, tpu.core_type = #tpu.core_type<tc>} {
    %get3A = arith.constant 0 : index
    %get3A_0 = arith.constant 0 : index
    %get3A_1 = arith.constant 0 : index
    %get3A_2 = vector.load %arg1[%get3A, %get3A_0, %get3A_1] : memref<2x10000x128xf32, #tpu.memory_space<vmem>>, vector<1x10000x128xf32>
    %get3A_3 = vector.shape_cast %get3A_2 : vector<1x10000x128xf32> to vector<10000x128xf32>
    %get3A_4 = arith.constant 1 : index
    %get3A_5 = arith.constant 0 : index
    %get3A_6 = arith.constant 0 : index
    %get3A_7 = vector.load %arg1[%get3A_4, %get3A_5, %get3A_6] : memref<2x10000x128xf32, #tpu.memory_space<vmem>>, vector<1x10000x128xf32>
    %get3A_8 = vector.shape_cast %get3A_7 : vector<1x10000x128xf32> to vector<10000x128xf32>
    %add3A = arith.addf %get3A_3, %get3A_8 : vector<10000x128xf32>
    %get3A_9 = arith.constant 0 : index
    %get3A_10 = arith.constant 0 : index
    %get3A_11 = vector.load %arg2[%get3A_9, %get3A_10] : memref<10000x2xf32, #tpu.memory_space<vmem>>, vector<10000x1xf32>
    %get3A_12 = arith.constant 0 : index
    %get3A_13 = arith.constant 1 : index
    %get3A_14 = vector.load %arg2[%get3A_12, %get3A_13] : memref<10000x2xf32, #tpu.memory_space<vmem>>, vector<10000x1xf32>
    %add3A_15 = arith.addf %get3A_11, %get3A_14 : vector<10000x1xf32>
    %max3A = arith.constant 1.000000e+00 : f32
    %max3A_16 = vector.broadcast %max3A : f32 to vector<10000x1xf32>
    %max3A_17 = arith.maximumf %add3A_15, %max3A_16 : vector<10000x1xf32>
    %div3A = vector.broadcast %max3A_17 : vector<10000x1xf32> to vector<10000x128xf32>
    %div3A_18 = arith.divf %add3A, %div3A : vector<10000x128xf32>
    %get3A_19 = arith.constant 0 : index
    %get3A_20 = arith.constant 0 : index
    %get3A_21 = vector.load %arg0[%get3A_19, %get3A_20] : memref<10000x128xf32, #tpu.memory_space<vmem>>, vector<10000x128xf32>
    %get3A_22 = arith.constant 0 : index
    %get3A_23 = arith.constant 0 : index
    %get3A_24 = vector.load %arg3[%get3A_22, %get3A_23] : memref<128x128xf32, #tpu.memory_space<vmem>>, vector<128x128xf32>
    %dot_general3A = arith.constant dense<0.000000e+00> : vector<10000x128xf32>
    %dot_general3A_25 = tpu.matmul %get3A_21, %get3A_24, %dot_general3A {dimension_numbers = #tpu.dot_dimension_numbers<[1], [0], [0], [1], [0, 0, 1, 1], [], []>, transpose_lhs_hint = false} : vector<10000x128xf32>, vector<128x128xf32>, vector<10000x128xf32> -> vector<10000x128xf32>
    %get3A_26 = arith.constant 0 : index
    %get3A_27 = arith.constant 0 : index
    %get3A_28 = vector.load %arg4[%get3A_26, %get3A_27] : memref<128x128xf32, #tpu.memory_space<vmem>>, vector<128x128xf32>
    %dot_general3A_29 = arith.constant dense<0.000000e+00> : vector<10000x128xf32>
    %dot_general3A_30 = tpu.matmul %div3A_18, %get3A_28, %dot_general3A_29 {dimension_numbers = #tpu.dot_dimension_numbers<[1], [0], [0], [1], [0, 0, 1, 1], [], []>, transpose_lhs_hint = false} : vector<10000x128xf32>, vector<128x128xf32>, vector<10000x128xf32> -> vector<10000x128xf32>
    %add3A_31 = arith.addf %dot_general3A_25, %dot_general3A_30 : vector<10000x128xf32>
    %get3A_32 = arith.constant 0 : index
    %get3A_33 = arith.constant 0 : index
    %get3A_34 = vector.load %arg5[%get3A_32, %get3A_33] : memref<1x128xf32, #tpu.memory_space<vmem>>, vector<1x128xf32>
    %add3A_35 = vector.broadcast %get3A_34 : vector<1x128xf32> to vector<10000x128xf32>
    %add3A_36 = arith.addf %add3A_31, %add3A_35 : vector<10000x128xf32>
    %reduce_sum3A = arith.constant dense<0.000000e+00> : vector<128xf32>
    %reduce_sum3A_37 = vector.multi_reduction <add>, %add3A_36, %reduce_sum3A [0] : vector<10000x128xf32> to vector<128xf32>
    %broadcast_in_dim3A = vector.shape_cast %reduce_sum3A_37 : vector<128xf32> to vector<1x128xf32>
    %mul3A = arith.constant 9.99999974E-5 : f32
    %mul3A_38 = vector.broadcast %mul3A : f32 to vector<1x128xf32>
    %mul3A_39 = arith.mulf %broadcast_in_dim3A, %mul3A_38 : vector<1x128xf32>
    %mul3A_40 = arith.mulf %add3A_36, %add3A_36 : vector<10000x128xf32>
    %reduce_sum3A_41 = arith.constant dense<0.000000e+00> : vector<128xf32>
    %reduce_sum3A_42 = vector.multi_reduction <add>, %mul3A_40, %reduce_sum3A_41 [0] : vector<10000x128xf32> to vector<128xf32>
    %broadcast_in_dim3A_43 = vector.shape_cast %reduce_sum3A_42 : vector<128xf32> to vector<1x128xf32>
    %mul3A_44 = arith.constant 9.99999974E-5 : f32
    %mul3A_45 = vector.broadcast %mul3A_44 : f32 to vector<1x128xf32>
    %mul3A_46 = arith.mulf %broadcast_in_dim3A_43, %mul3A_45 : vector<1x128xf32>
    %mul3A_47 = arith.mulf %mul3A_39, %mul3A_39 : vector<1x128xf32>
    %sub3A = arith.subf %mul3A_46, %mul3A_47 : vector<1x128xf32>
    %add3A_48 = arith.constant 9.99999974E-6 : f32
    %add3A_49 = vector.broadcast %add3A_48 : f32 to vector<1x128xf32>
    %add3A_50 = arith.addf %sub3A, %add3A_49 : vector<1x128xf32>
    %rsqrt3A = math.rsqrt %add3A_50 : vector<1x128xf32>
    %sub3A_51 = vector.broadcast %mul3A_39 : vector<1x128xf32> to vector<10000x128xf32>
    %sub3A_52 = arith.subf %add3A_36, %sub3A_51 : vector<10000x128xf32>
    %mul3A_53 = vector.broadcast %rsqrt3A : vector<1x128xf32> to vector<10000x128xf32>
    %mul3A_54 = arith.mulf %sub3A_52, %mul3A_53 : vector<10000x128xf32>
    %get3A_55 = arith.constant 0 : index
    %get3A_56 = arith.constant 0 : index
    %get3A_57 = vector.load %arg6[%get3A_55, %get3A_56] : memref<1x128xf32, #tpu.memory_space<vmem>>, vector<1x128xf32>
    %mul3A_58 = vector.broadcast %get3A_57 : vector<1x128xf32> to vector<10000x128xf32>
    %mul3A_59 = arith.mulf %mul3A_54, %mul3A_58 : vector<10000x128xf32>
    %get3A_60 = arith.constant 0 : index
    %get3A_61 = arith.constant 0 : index
    %get3A_62 = vector.load %arg7[%get3A_60, %get3A_61] : memref<1x128xf32, #tpu.memory_space<vmem>>, vector<1x128xf32>
    %add3A_63 = vector.broadcast %get3A_62 : vector<1x128xf32> to vector<10000x128xf32>
    %add3A_64 = arith.addf %mul3A_59, %add3A_63 : vector<10000x128xf32>
    %logistic3A = arith.negf %add3A_64 : vector<10000x128xf32>
    %logistic3A_65 = math.exp %logistic3A : vector<10000x128xf32>
    %logistic3A_66 = arith.constant 1.000000e+00 : f32
    %logistic3A_67 = vector.broadcast %logistic3A_66 : f32 to vector<10000x128xf32>
    %logistic3A_68 = arith.addf %logistic3A_67, %logistic3A_65 : vector<10000x128xf32>
    %logistic3A_69 = arith.divf %logistic3A_67, %logistic3A_68 : vector<10000x128xf32>
    %mul3A_70 = arith.mulf %add3A_64, %logistic3A_69 : vector<10000x128xf32>
    %swap3A = arith.constant 0 : index
    %swap3A_71 = arith.constant 0 : index
    %swap3A_72 = vector.load %arg8[%swap3A, %swap3A_71] : memref<10000x128xf32, #tpu.memory_space<vmem>>, vector<10000x128xf32>
    tpu.vector_store %arg8[%swap3A, %swap3A_71], %mul3A_70 {strides = array<i32>} : memref<10000x128xf32, #tpu.memory_space<vmem>>, vector<10000x128xf32>,
    return
  }
}

</mosaic_0001>

<sc_bundles>
// kernel: kernel.11.cloned.1.call-start
scs
__scs_entry_jumppad:
0x0: {  	(pc) =	sbr.rel $0x88, $3  }
0x1: {  	(tag) =	ssettag $0x0;
	lr =	simm.s32 $0x1  }
0x2: {  	[smem:$0x3F96] =	sst lr;
	_ =	strace $0xD0000000  }
0x3: {  	_ = 	snop  }
0x4: {  	_ = 	snop  }
0x5: {  	_ = 	snop  }
0x6: {  	_ = 	snop  }
0x7: {  	_ = 	snop  }
__scs_overlays_trampoline_lowered:
0x8: {  	[smem:$0x3FA5] =	sst s0  }
0x9: {  	[smem:$0x3FA6] =	sst s1  }
0xa: {  	[smem:$0x3FA7] =	sst s2  }
0xb: {  	[smem:$0x3FA8] =	sst s3  }
0xc: {  	[smem:$0x3FA9] =	sst s4  }
0xd: {  	[smem:$0x3FAA] =	sst s5  }
0xe: {  	[smem:$0x3FAB] =	sst s6  }
0xf: {  	[smem:$0x3FAC] =	sst s7  }
0x10: {  	[smem:$0x3FAD] =	sst s8  }
0x11: {  	[smem:$0x3FAE] =	sst s9;
	s0 =	simm.s32 @!p0 $0x0  }
0x12: {  	s1 =	sld [smem:$0x3F94];
	s0 =	simm.s32 @p0 $0x1  }
0x13: {  	[smem:$0x3FAF] =	sst s0;
	s0 =	simm.s32 @!p1 $0x0  }
0x14: {  	s2 =	sld [smem:$0x3F93];
	s0 =	simm.s32 @p1 $0x1  }
0x15: {  	[smem:$0x3FB0] =	sst s0;
	s0 =	simm.s32 @!p2 $0x0  }
0x16: {  	s3 =	sld [smem:$0x3FDB];
	s0 =	simm.s32 @p2 $0x1  }
0x17: {  	s4 =	simm.s32 $0x1BF5;
	[smem:$0x3FB2] =	sst s0  }
0x18: {  	s0 =	sld [smem:$0x3F95];
	_ =	swait.ge [sflag:s4], $0x0  }
0x19: {  	s7 =	sld [smem:$0x3F96]  }
0x1a: {  	s8 =	sadd.s32 $0xFFFFE003, lr  }
0x1b: {  	s9 =	sadd.s32 $0xFFFFFEF7, lr;
	s5 =	simm.s32 $0xFFFFFFFF;
	p2 =	slt.u32 s8, $0xFFFFF086  }
0x1c: {  	p1 =	slt.u32 s9, $0xF7A;
	s5 =	simm.s32 @!p2 $0x0  }
0x1d: {  	s5 =	simm.s32 @p1 $0x1;
	p0 =	seq.s32 s7, s2  }
0x1e: {  	s7 =	smul.u32 @!p0 $0xF7A, s2;
	p2 =	seq.s32 @!p0 s5, $0x0  }
0x1f: {  	s9 =	smul.u32 $0xF7A, s1;
	s8 =	simm.s32 @!p0 $0x1BF5;
	p2 =	por !p2, p0  }
0x20: {  	[sflag:s8] =	ssyncset.s32 @!p0 $0xFFFFF086;
	s6 =	sadd.s32 @!p0 s3, s7;
	s7 =	simm.s32 @!p0 $0x108  }
0x21: {  	s3 =	sadd.s32 s3, s9;
	s6 =	sadd.s32 @!p0 $0x88, s6;
	s7 =	simm.s32 @p2 $0x1082  }
0x22: {  	[simem:s7], [sflag:s8] =	dma.local @!p0 [hbm:s6], $0xF7A  }
0x23: {  	s9 =	sor.u32 $0xD0000000, s2;
	s6 =	simm.s32 $0x108;
	_ =	swait.ge @!p0 [sflag:s8], $0x0  }
0x24: {  	s3 =	sadd.s32 $0x88, s3;
	s6 =	simm.s32 @!p1 $0x1082;
	[sflag:s4] =	ssyncset.s32 $0xFFFFF086  }
0x25: {  	[simem:s6], [sflag:s4] =	dma.local [hbm:s3], $0xF7A  }
0x26: {  	[smem:$0x3F96] =	sst s1;
	(tag) =	ssettag s2;
	_ =	strace s9  }
0x27: {  	s1 =	sld [smem:$0x3FA6]  }
0x28: {  	s2 =	sld [smem:$0x3FA7]  }
0x29: {  	s4 =	sld [smem:$0x3FA9]  }
0x2a: {  	p0 =	seq.s32 s5, $0x0;
	s5 =	sld [smem:$0x3FAA]  }
0x2b: {  	s6 =	sld [smem:$0x3FAB]  }
0x2c: {  	s7 =	sld [smem:$0x3FAC]  }
0x2d: {  	s3 =	simm.s32 $0x108;
	s8 =	sld [smem:$0x3FAD]  }
0x2e: {  	s3 =	simm.s32 @!p0 $0x1082;
	s9 =	sld [smem:$0x3FAE]  }
0x2f: {  	lr =	sadd.s32 s0, s3;
	s0 =	sld [smem:$0x3FA5]  }
0x30: {  	s3 =	sld [smem:$0x3FA8]  }
0x31: {  	[smem:$0x3FB1] =	sst s10  }
0x32: {  	s10 =	sld [smem:$0x3FAF];
	_ =	sdelay $0x3  }
0x33: {  	p0 =	seq.s32 s10, $0x1;
	s10 =	sld [smem:$0x3FB1];
	_ =	sdelay $0x3  }
0x34: {  	[smem:$0x3FB1] =	sst s10  }
0x35: {  	s10 =	sld [smem:$0x3FB0];
	_ =	sdelay $0x3  }
0x36: {  	p1 =	seq.s32 s10, $0x1;
	s10 =	sld [smem:$0x3FB1];
	_ =	sdelay $0x3  }
0x37: {  	[smem:$0x3FB1] =	sst s10  }
0x38: {  	s10 =	sld [smem:$0x3FB2]  }
0x39: {  	_ = 	snop;
	(pc) =	sbr.ind lr, $3  }
0x3a: {  	_ = 	snop  }
0x3b: {  	_ = 	snop  }
0x3c: {  	p2 =	seq.s32 s10, $0x1;
	s10 =	sld [smem:$0x3FB1]  }
0x3d: {  	_ =	shalt  }
0x3e: {  	_ =	shalt  }
0x3f: {  	_ =	shalt  }
0x40: {  	_ =	shalt  }
0x41: {  	_ =	shalt  }
0x42: {  	_ =	shalt  }
0x43: {  	_ =	shalt  }
0x44: {  	_ =	shalt  }
0x45: {  	_ =	shalt  }
0x46: {  	_ =	shalt  }
0x47: {  	_ =	shalt  }
0x48: {  	_ =	shalt  }
0x49: {  	_ =	shalt  }
0x4a: {  	_ =	shalt  }
0x4b: {  	_ =	shalt  }
0x4c: {  	_ =	shalt  }
0x4d: {  	_ =	shalt  }
0x4e: {  	_ =	shalt  }
0x4f: {  	_ =	shalt  }
0x50: {  	_ =	shalt  }
0x51: {  	_ =	shalt  }
0x52: {  	_ =	shalt  }
0x53: {  	_ =	shalt  }
0x54: {  	_ =	shalt  }
0x55: {  	_ =	shalt  }
0x56: {  	_ =	shalt  }
0x57: {  	_ =	shalt  }
0x58: {  	_ =	shalt  }
0x59: {  	_ =	shalt  }
0x5a: {  	_ =	shalt  }
0x5b: {  	_ =	shalt  }
0x5c: {  	_ =	shalt  }
0x5d: {  	_ =	shalt  }
0x5e: {  	_ =	shalt  }
0x5f: {  	_ =	shalt  }
0x60: {  	_ =	shalt  }
0x61: {  	_ =	shalt  }
0x62: {  	_ =	shalt  }
0x63: {  	_ =	shalt  }
0x64: {  	_ =	shalt  }
0x65: {  	_ =	shalt  }
0x66: {  	_ =	shalt  }
0x67: {  	_ =	shalt  }
0x68: {  	_ =	shalt  }
0x69: {  	_ =	shalt  }
0x6a: {  	_ =	shalt  }
0x6b: {  	_ =	shalt  }
0x6c: {  	_ =	shalt  }
0x6d: {  	_ =	shalt  }
0x6e: {  	_ =	shalt  }
0x6f: {  	_ =	shalt  }
0x70: {  	_ =	shalt  }
0x71: {  	_ =	shalt  }
0x72: {  	_ =	shalt  }
0x73: {  	_ =	shalt  }
0x74: {  	_ =	shalt  }
0x75: {  	_ =	shalt  }
0x76: {  	_ =	shalt  }
0x77: {  	_ =	shalt  }
0x78: {  	_ =	shalt  }
0x79: {  	_ =	shalt  }
0x7a: {  	_ =	shalt  }
0x7b: {  	_ =	shalt  }
0x7c: {  	_ =	shalt  }
0x7d: {  	_ =	shalt  }
0x7e: {  	_ =	shalt  }
0x7f: {  	_ =	shalt  }
0x80: {  	_ =	shalt  }
0x81: {  	_ =	shalt  }
0x82: {  	_ =	shalt  }
0x83: {  	_ =	shalt  }
0x84: {  	_ =	shalt  }
0x85: {  	_ =	shalt  }
0x86: {  	_ =	shalt  }
0x87: {  	_ =	shalt  }
.Lfunc_end0:
.L_simem_size_0:
called_computation.1_lowered:
.L_overlay_start_0:
0x88: {  	s2 =	sld [smem:$0x3FD9]  }
0x89: {  	s3 =	sld [smem:$0x3FFE];
	_ =	sdelay $0x1  }
0x8a: {  	s1 =	srdreg.scid  }
0x8b: {  	s0 =	sand.u32 $0x1, s1  }
0x8c: {  	s17 =	sshll.u32 s0, $0xA;
	s2 =	sadd.s32 s3, s2  }
0x8d: {  	s2 =	sadd.s32 s2, s17  }
0x8e: {  	[smem:$0x3FBD] =	sst s2  }
0x8f: {  	_ = 	snop  }
0x90: {  	s2 =	sld [smem:$0x3FD0];
	(tm) =	ssettm $0x1  }
0x91: {  	s18 =	sld [smem:$0x3FFB];
	_ =	sdelay $0x3  }
0x92: {  	_ =	strace s18  }
0x93: {  	s3 =	sld [smem:$0x3FFC];
	_ =	sdelay $0x3  }
0x94: {  	_ =	strace s3  }
0x95: {  	s3 =	sld [smem:$0x3FFD];
	_ =	sdelay $0x3  }
0x96: {  	_ =	strace s3  }
0x97: {  	_ =	strace $0x8FFFFFFF  }
0x98: {  	s19 =	sld [smem:$0x3FDB];
	_ =	sdelay $0x1  }
0x99: {  	s4 =	simm.s32 $_scs_section_size  }
0x9a: {  	s5 =	simm.s32 $_size__tile_overlayer_lowered;
	s6 =	simm.s32 $_tile_overlayer_lowered  }
0x9b: {  	s22 =	simm.s32 $0x1BFF;
	s21 =	sshll.u32 s6, $0x1;
	s3 =	sadd.s32 s4, s19  }
0x9c: {  	s7 =	simm.s32 $0x0;
	s20 =	sshll.u32 s5, $0x1;
	s5 =	sadd.s32 s21, s3  }
0x9d: {  	[timem:s7], [sflag:s22] =	dma.local [hbm:s5], s20  }
0x9e: {  	_ =	swait.ge [sflag:s22], s20  }
0x9f: {  	s4 =	ssub.s32 $0x0, s20;
	[sflag:s22] =	ssyncset.done $0x0  }
0xa0: {  	[sflag:s22] =	ssyncadd.s32 s4;
	_ =	sdelay $0x1  }
0xa1: {  	s23 =	simm.s32 $0x1B8B  }
0xa2: {  	_ =	swait.ge [sflag:s23], $0x1  }
0xa3: {  	[sflag:s23] =	ssyncset.done $0x0  }
0xa4: {  	s25 =	simm.s32 $0x1B8E;
	s24 =	sld [smem:$0x3FFE];
	[sflag:s23] =	ssyncadd.s32 $0xFFFFFFFF  }
0xa5: {  	s26 =	simm.s32 $execute0_lowered;
	[smem:$0x3FD2] =	sst s25  }
0xa6: {  	s5 =	sshll.u32 s26, $0x1;
	_ =	strace $0x80000049;
	[dreg:$0x1] =	wrdreg $0xFFFFFFFF  }
0xa7: {  	s28 =	simm.s32 $_size_execute0_lowered;
	s3 =	sadd.s32 s3, s5;
	[dreg:$0x0] =	wrdreg $0x0  }
0xa8: {  	s5 =	sshll.u32 s28, $0x1;
	[dreg:$0x2] =	wrdreg s3  }
0xa9: {  	[dreg:$0x3] =	wrdreg s5  }
0xaa: {  	[dreg:$0x4] =	wrdreg $0xC0  }
0xab: {  	_ =	task [dreg:s7], $0x5FFFF  }
0xac: {  	[dreg:$0x1] =	wrdreg $0xFFFFFFFF  }
0xad: {  	[dreg:$0x0] =	wrdreg $0x60  }
0xae: {  	[dreg:$0x2] =	wrdreg s24  }
0xaf: {  	[dreg:$0x3] =	wrdreg s2  }
0xb0: {  	[dreg:$0x4] =	wrdreg $0x84800  }
0xb1: {  	[dreg:$0x5] =	wrdreg $0x1BD000  }
0xb2: {  	[dreg:$0x6] =	wrdreg $0x9  }
0xb3: {  	_ =	task.clear_ibuf [dreg:s7], $0x7FFFF;
	_ =	strace $0x90000049  }
0xb4: {  	s29 =	simm.s32 $0x9;
	_ =	strace $0x8000004B  }
0xb5: {  	_ =	swait.ge [sflag:s29], $0x1  }
0xb6: {  	[sflag:s29] =	ssyncadd.s32 $0xFFFFFFFF  }
0xb7: {  	_ =	strace $0x9000004B  }
0xb8: {  	_ =	sfence  }
0xb9: {  	s30 =	sld [smem:$0x0];
	_ =	sdelay $0x2  }
0xba: {  	s31 =	sshll.u32 s1, $0xD;
	s1 =	sshrl.u32 s1, $0x2  }
0xbb: {  	s3 =	sand.u32 $0x4000, s31;
	s1 =	sadd.s32 s1, s30  }
0xbc: {  	s0 =	sor.u32 s3, s0;
	s1 =	sshll.u32 s1, $0x11  }
0xbd: {  	s0 =	sor.u32 s1, s0  }
0xbe: {  	s0 =	sadd.s32 $0x8F2B, s0  }
0xbf: {  	[sflag:s0] =	ssyncadd.remote.s32 $0x1  }
0xc0: {  	_ =	sfence.sel $0xFFFF  }
0xc1: {  	[dreg:$0x0] =	wrdreg $0xFFFFFFFF;
	(pc) =	sbr.abs _section_cstart, $3  }
0xc2: {  	[dreg:$0x1] =	wrdreg $0xFFFFFFFF  }
0xc3: {  	_ =	task.clear_ibuf [dreg:s7], $0x2FFFF;
	_ =	strace $0x9FFFFFFF  }
0xc4: {  	(tm) =	ssettm $0x7FFFFFFF  }
0xc5: {  	_ =	shalt  }
tec
execute0_lowered:
.L_overlay_start_1:
0x0: {  	(tag) =	ssettag $0x1  }
0x1: {  	s0 =	rddreg [dreg:$0x0]  }
0x2: {  	s4 =	rddreg [dreg:$0x1]  }
0x3: {  	s1 =	rddreg [dreg:$0x2]  }
0x4: {  	s2 =	rddreg [dreg:$0x3]  }
0x5: {  	s3 =	simm.s32 $0x0;
	s19 =	stileid.u32;
	s8 =	srdreg.scid  }
0x6: {  	s28 =	simm.s32 $0x80;
	s29 =	simm.s32 $0x4100;
	s9 =	smul.u32 $0x270, s19  }
0x7: {  	s30 =	simm.s32 $0x1;
	s31 =	simm.s32 $0x3;
	s11 =	smul.u32 $0x4E000, s19  }
0x8: {  	[smem:$0x7FF] =	sst s3;
	s6 =	sadd.s32 $0x16C00, s0;
	s13 =	smul.u32 $0x2700, s19  }
0x9: {  	s5 =	sadd.s32 $0xCE00, s0;
	s7 =	sadd.s32 $0x4F8C00, s0;
	s24 =	smul.u32 $0x4E200, s19  }
0xa: {  	s10 =	sand.u32 $0x1, s8;
	s16 =	sshll.u32 s19, $0x1;
	s25 =	smul.u32 $0x4E20, s19  }
0xb: {  	s0 =	sadd.s32 $0x2800, s0;
	p0 =	seq.s32 s19, $0xF;
	s21 =	smul.u32 $0x138800, s10  }
0xc: {  	s12 =	ssub.s32 $0x2, s10;
	s8 =	sor.u32 s10, s16;
	s16 =	smul.u32 $0x13800, s19  }
0xd: {  	_ =	strace $0x8000004A;
	s14 =	sshrl.u32 s12, $0x1;
	s15 =	smul.u32 $0x2710, s8  }
0xe: {  	s11 =	sshrl.u32 s11, $0x2;
	s17 =	smul.u32 $0x27100, s8;
	s20 =	sadd.s32 s4, s13  }
0xf: {  	s8 =	sadd.s32 s9, s2;
	s4 =	sadd.s32 $0x24900, s4;
	s12 =	ssub.s32 s12, s14  }
0x10: {  	s18 =	sadd.s32 s11, s1;
	[dreg:$0x6] =	wrdreg s20;
	s16 =	sadd.s32 s16, s21  }
0x11: {  	s11 =	sshrl.u32 s21, $0x3;
	[dreg:$0xd] =	wrdreg s4;
	s4 =	simm.s32 $0x2  }
0x12: {  	[dreg:$0x5] =	wrdreg s18;
	s22 =	sadd.s32 $0x80, s15;
	s14 =	sadd.s32 s6, s17  }
0x13: {  	s17 =	smul.u32 $0x2710, s10;
	s20 =	sadd.s32 $0x2700, s15;
	s16 =	sshrl.u32 s16, $0x3  }
0x14: {  	s21 =	sshrl.u32 s15, $0x3;
	s10 =	smul.u32 $0x27100, s10;
	[dreg:$0x7] =	wrdreg s14  }
0x15: {  	s18 =	sshll.u32 s22, $0x4;
	s16 =	sadd.s32 s7, s16;
	s7 =	sadd.s32 s7, s11  }
0x16: {  	s22 =	sshrl.u32 s22, $0x3;
	s14 =	sadd.s32 s6, s18;
	s18 =	sshll.u32 s20, $0x4  }
0x17: {  	s9 =	sadd.s32 s9, s17;
	[dreg:$0x9] =	wrdreg s16;
	s23 =	sshrl.u32 s17, $0x3  }
0x18: {  	s16 =	sadd.s32 $0x124800, s1;
	[dreg:$0x8] =	wrdreg s14;
	s9 =	sshrl.u32 s9, $0x3  }
0x19: {  	s26 =	sadd.s32 s6, s18;
	s6 =	sadd.s32 s24, s6;
	[dreg:$0xc] =	wrdreg s16  }
0x1a: {  	s18 =	sadd.s32 s17, s25;
	s16 =	sadd.s32 $0x2490, s2;
	s24 =	sshrl.u32 s20, $0x3  }
0x1b: {  	s20 =	sadd.s32 $0x24900, s7;
	s7 =	simm.s32 $0x10;
	s9 =	sadd.s32 s0, s9  }
0x1c: {  	s0 =	sadd.s32 s0, s23;
	[dreg:$0xb] =	wrdreg s26;
	s23 =	sadd.s32 s5, s22  }
0x1d: {  	s6 =	sadd.s32 s10, s6;
	s25 =	sadd.s32 $0x180, s18;
	[dreg:$0xa] =	wrdreg s9  }
0x1e: {  	s22 =	smax.u32 s12, $0x1;
	s9 =	sadd.s32 s5, s21;
	[dreg:$0xf] =	wrdreg s23  }
0x1f: {  	s21 =	sadd.s32 $0x492, s0;
	s26 =	sshrl.u32 s25, $0x3;
	s17 =	sadd.s32 $0x1800, s6  }
0x20: {  	s25 =	sadd.s32 $0x100, s18;
	s0 =	simm.s32 $0x8180;
	s6 =	simm.s32 $0x8100  }
0x21: {  	[dreg:$0xe] =	wrdreg s9;
	s9 =	sadd.s32 s5, s24;
	s24 =	sadd.s32 s26, s5  }
0x22: {  	v0 =	vimm.f32 $0.0e+00;
	v1 =	vimm.f32 $1.000000000e+00;
	s26 =	simm.s32 $0x100;
	[dreg:$0x10] =	wrdreg s9;
	s9 =	simm.s32 $0x0  }
.LBB2_1:
0x23: {  	[tilespmem:$0x8200] =	vst v0  }
0x24: {  	[tilespmem:$0x8210] =	vst v0  }
0x25: {  	[tilespmem:$0x8220] =	vst v0  }
0x26: {  	[tilespmem:$0x8230] =	vst v0  }
0x27: {  	[tilespmem:$0x8240] =	vst v0  }
0x28: {  	[tilespmem:$0x8250] =	vst v0  }
0x29: {  	[tilespmem:$0x8260] =	vst v0  }
0x2a: {  	[tilespmem:$0x8270] =	vst v0  }
0x2b: {  	[tilespmem:$0x8280] =	vst v0  }
0x2c: {  	[tilespmem:$0x8290] =	vst v0  }
0x2d: {  	[tilespmem:$0x82A0] =	vst v0  }
0x2e: {  	[tilespmem:$0x82B0] =	vst v0  }
0x2f: {  	[tilespmem:$0x82C0] =	vst v0  }
0x30: {  	[tilespmem:$0x82D0] =	vst v0  }
0x31: {  	[tilespmem:$0x82E0] =	vst v0  }
0x32: {  	[tilespmem:$0x82F0] =	vst v0  }
0x33: {  	[tilespmem:$0x8300] =	vst v0  }
0x34: {  	[tilespmem:$0x8310] =	vst v0  }
0x35: {  	[tilespmem:$0x8320] =	vst v0  }
0x36: {  	[tilespmem:$0x8330] =	vst v0  }
0x37: {  	[tilespmem:$0x8340] =	vst v0  }
0x38: {  	[tilespmem:$0x8350] =	vst v0  }
0x39: {  	[tilespmem:$0x8360] =	vst v0  }
0x3a: {  	[tilespmem:$0x8370] =	vst v0  }
0x3b: {  	[tilespmem:$0x8380] =	vst v0  }
0x3c: {  	[tilespmem:$0x8390] =	vst v0  }
0x3d: {  	[tilespmem:$0x83A0] =	vst v0  }
0x3e: {  	[tilespmem:$0x83B0] =	vst v0  }
0x3f: {  	[tilespmem:$0x83C0] =	vst v0  }
0x40: {  	[tilespmem:$0x83D0] =	vst v0  }
0x41: {  	[tilespmem:$0x83E0] =	vst v0  }
0x42: {  	[tilespmem:$0x83F0] =	vst v0  }
0x43: {  	[tilespmem:$0x8400] =	vst v0  }
0x44: {  	[tilespmem:$0x8410] =	vst v0  }
0x45: {  	[tilespmem:$0x8420] =	vst v0  }
0x46: {  	[tilespmem:$0x8430] =	vst v0  }
0x47: {  	[tilespmem:$0x8440] =	vst v0  }
0x48: {  	[tilespmem:$0x8450] =	vst v0  }
0x49: {  	[tilespmem:$0x8460] =	vst v0  }
0x4a: {  	[tilespmem:$0x8470] =	vst v0  }
0x4b: {  	[tilespmem:$0x8180] =	vst v1  }
0x4c: {  	[tilespmem:$0x8190] =	vst v1  }
0x4d: {  	[tilespmem:$0x81A0] =	vst v1  }
0x4e: {  	[tilespmem:$0x81B0] =	vst v1  }
0x4f: {  	[tilespmem:$0x81C0] =	vst v1  }
0x50: {  	[tilespmem:$0x81D0] =	vst v1  }
0x51: {  	[tilespmem:$0x81E0] =	vst v1;
	s10 =	rddreg [dreg:$0xc]  }
0x52: {  	[tilespmem:$0x81F0] =	vst v1;
	s11 =	rddreg [dreg:$0xd];
	s12 =	sshrl.u32 @p0 s10, $0x3;
	s10 =	simm.s32 @p0 $0x1FC3  }
0x53: {  	[spmem:s12], [sflag:s10] =	dma.local @p0 [hbm:s11], $0x2800  }
0x54: {  	s10 =	simm.s32 @p0 $0x3  }
0x55: {  	_ =	swait.ge @p0 [sflag:s10], $0x2800  }
0x56: {  	[sflag:s10] =	ssyncset.done @p0 $0x0  }
0x57: {  	s11 =	simm.s32 @p0 $0x8200;
	[sflag:s10] =	ssyncadd.s32 @p0 $0xFFFFD800  }
0x58: {  	[spmem:s16] =	stream.linear.scatter @p0 [tilespmem:s11], [sflag:$0x3], $0x280, $0x38;
	[tilespmem:$0x1BF78] =	vst v63  }
0x59: {  	s11 =	stileid.u32;
	_ =	swait.ge @p0 [sflag:s10], $0x280  }
0x5a: {  	s11 =	sshll.u32 @!p0 s11, $0x6;
	[sflag:s10] =	ssyncset.done @p0 $0x0  }
0x5b: {  	[sflag:s10] =	ssyncadd.s32 @p0 $0xFFFFFD80;
	s10 =	sor.u32 @!p0 $0x1C03, s11;
	s11 =	rddreg [dreg:$0x5]  }
0x5c: {  	s13 =	rddreg [dreg:$0x6];
	s11 =	sshrl.u32 @!p0 s11, $0x3  }
0x5d: {  	[spmem:s11], [sflag:s10] =	dma.local @!p0 [hbm:s13], $0x2700  }
0x5e: {  	s13 =	simm.s32 @!p0 $0x3  }
0x5f: {  	_ =	swait.ge @!p0 [sflag:s13], $0x2700  }
0x60: {  	[sflag:s13] =	ssyncset.done @!p0 $0x0  }
0x61: {  	s14 =	simm.s32 @!p0 $0x8200;
	[sflag:s13] =	ssyncadd.s32 @!p0 $0xFFFFD900  }
0x62: {  	[spmem:s8] =	stream.linear.scatter @!p0 [tilespmem:s14], [sflag:$0x3], $0x270, $0x38;
	[tilespmem:$0x1BF78] =	vst v63  }
0x63: {  	_ =	swait.ge @!p0 [sflag:s13], $0x270  }
0x64: {  	[sflag:s13] =	ssyncset.done @!p0 $0x0  }
0x65: {  	[sflag:s13] =	ssyncadd.s32 @!p0 $0xFFFFFD90  }
0x66: {  	[bflag:$0x0] =	sbarrier.arrive $0xFFFF  }
0x67: {  	s19 =	rddreg [dreg:$0xe]  }
0x68: {  	[tilespmem:s3], [sflag:$0x1] =	stream.linear.gather [hbm4b:s19+s3], $0x80, $0x38;
	[tilespmem:$0x1BF78] =	vst v63  }
0x69: {  	s23 =	rddreg [dreg:$0x7]  }
0x6a: {  	[tilespmem:s26], [sflag:$0x1] =	stream.linear.gather [hbm4b:s23+s3], $0x4000, $0x38;
	[tilespmem:$0x1BF78] =	vst v63  }
0x6b: {  	s14 =	rddreg [dreg:$0xf]  }
0x6c: {  	[tilespmem:s28], [sflag:$0x2] =	stream.linear.gather [hbm4b:s14+s3], $0x80, $0x38;
	[tilespmem:$0x1BF78] =	vst v63  }
0x6d: {  	s15 =	rddreg [dreg:$0x8]  }
0x6e: {  	[tilespmem:s29], [sflag:$0x2] =	stream.linear.gather [hbm4b:s15+s3], $0x4000, $0x38;
	[tilespmem:$0x1BF78] =	vst v63  }
0x6f: {  	_ =	swait.ge [sflag:s30], $0x80  }
0x70: {  	[sflag:s30] =	ssyncset.done $0x0  }
0x71: {  	[sflag:s30] =	ssyncadd.s32 $0xFFFFFF80  }
0x72: {  	_ =	swait.ge [sflag:s30], $0x4000  }
0x73: {  	[sflag:s30] =	ssyncset.done $0x0  }
0x74: {  	[sflag:s30] =	ssyncadd.s32 $0xFFFFC000  }
0x75: {  	[spmem:s1] =	stream.indirect.scatter.add.f32 [tilespmem:s26], [sflag:$0x3], $0x80, s3, s28, $0xb8;
	[tilespmem:$0x1BF78] =	vst v63  }
0x76: {  	_ =	swait.ge [sflag:s31], $0x4000  }
0x77: {  	[sflag:s31] =	ssyncset.done $0x0  }
0x78: {  	[sflag:s31] =	ssyncadd.s32 $0xFFFFC000  }
0x79: {  	[spmem:s2] =	stream.indirect.scatter.add.f32 [tilespmem:s0], [sflag:$0x3], $0x1, s3, s28, $0xb8;
	[tilespmem:$0x1BF78] =	vst v63  }
0x7a: {  	_ =	swait.ge [sflag:s31], $0x80  }
0x7b: {  	s18 =	sshrl.u32 s25, $0x3;
	[sflag:s31] =	ssyncset.done $0x0  }
0x7c: {  	s13 =	sadd.s32 s5, s18;
	[sflag:s31] =	ssyncadd.s32 $0xFFFFFF80  }
0x7d: {  	[tilespmem:s3], [sflag:$0x1] =	stream.linear.gather [hbm4b:s13+s3], $0x80, $0x38;
	[tilespmem:$0x1BF78] =	vst v63  }
0x7e: {  	s19 =	sadd.s32 $0xFFFFF800, s17  }
0x7f: {  	[tilespmem:s26], [sflag:$0x1] =	stream.linear.gather [hbm4b:s19+s3], $0x4000, $0x38;
	[tilespmem:$0x1BF78] =	vst v63  }
0x80: {  	_ =	swait.ge [sflag:s4], $0x80  }
0x81: {  	[sflag:s4] =	ssyncset.done $0x0  }
0x82: {  	[sflag:s4] =	ssyncadd.s32 $0xFFFFFF80  }
0x83: {  	_ =	swait.ge [sflag:s4], $0x4000  }
0x84: {  	[sflag:s4] =	ssyncset.done $0x0  }
0x85: {  	[sflag:s4] =	ssyncadd.s32 $0xFFFFC000  }
0x86: {  	[spmem:s1] =	stream.indirect.scatter.add.f32 [tilespmem:s29], [sflag:$0x3], $0x80, s28, s28, $0xb8;
	[tilespmem:$0x1BF78] =	vst v63  }
0x87: {  	_ =	swait.ge [sflag:s31], $0x4000  }
0x88: {  	[sflag:s31] =	ssyncset.done $0x0  }
0x89: {  	[sflag:s31] =	ssyncadd.s32 $0xFFFFC000  }
0x8a: {  	[spmem:s2] =	stream.indirect.scatter.add.f32 [tilespmem:s0], [sflag:$0x3], $0x1, s28, s28, $0xb8;
	[tilespmem:$0x1BF78] =	vst v63  }
0x8b: {  	_ =	swait.ge [sflag:s31], $0x80  }
0x8c: {  	[sflag:s31] =	ssyncset.done $0x0  }
0x8d: {  	s23 =	sadd.s32 $0x0, s24;
	s14 =	sadd.s32 $0x1000, s17;
	[sflag:s31] =	ssyncadd.s32 $0xFFFFFF80  }
0x8e: {  	[tilespmem:s28], [sflag:$0x2] =	stream.linear.gather [hbm4b:s23+s3], $0x80, $0x38;
	[tilespmem:$0x1BF78] =	vst v63  }
0x8f: {  	s15 =	sadd.s32 $0x100, s25;
	s13 =	simm.s32 $0x20;
	s23 =	smov.u32 s17  }
.LBB2_2:
0x90: {  	[tilespmem:s29], [sflag:$0x2] =	stream.linear.gather [hbm4b:s23+s3], $0x4000, $0x38;
	[tilespmem:$0x1BF78] =	vst v63  }
0x91: {  	s18 =	smov.u32 s13;
	s23 =	smov.u32 s14  }
0x92: {  	p1 =	sne.s32 s13, $0x4A0;
	s13 =	sadd.s32 $0x20, s13;
	_ =	swait.ge [sflag:s30], $0x80  }
0x93: {  	[sflag:s30] =	ssyncset.done $0x0  }
0x94: {  	[sflag:s30] =	ssyncadd.s32 $0xFFFFFF80  }
0x95: {  	_ =	swait.ge [sflag:s30], $0x4000  }
0x96: {  	[sflag:s30] =	ssyncset.done $0x0  }
0x97: {  	[sflag:s30] =	ssyncadd.s32 $0xFFFFC000  }
0x98: {  	[spmem:s1] =	stream.indirect.scatter.add.f32 [tilespmem:s26], [sflag:$0x3], $0x80, s3, s28, $0xb8;
	[tilespmem:$0x1BF78] =	vst v63  }
0x99: {  	_ =	swait.ge [sflag:s31], $0x4000  }
0x9a: {  	[sflag:s31] =	ssyncset.done $0x0  }
0x9b: {  	[sflag:s31] =	ssyncadd.s32 $0xFFFFC000  }
0x9c: {  	[spmem:s2] =	stream.indirect.scatter.add.f32 [tilespmem:s0], [sflag:$0x3], $0x1, s3, s28, $0xb8;
	[tilespmem:$0x1BF78] =	vst v63  }
0x9d: {  	_ =	swait.ge [sflag:s31], $0x80  }
0x9e: {  	s19 =	sshrl.u32 s15, $0x3;
	[sflag:s31] =	ssyncset.done $0x0  }
0x9f: {  	s19 =	sadd.s32 s5, s19;
	[sflag:s31] =	ssyncadd.s32 $0xFFFFFF80  }
0xa0: {  	[tilespmem:s3], [sflag:$0x1] =	stream.linear.gather [hbm4b:s19+s3], $0x80, $0x38;
	[tilespmem:$0x1BF78] =	vst v63  }
0xa1: {  	s19 =	sadd.s32 $0xFFFFF800, s14  }
0xa2: {  	[tilespmem:s26], [sflag:$0x1] =	stream.linear.gather [hbm4b:s19+s3], $0x4000, $0x38;
	[tilespmem:$0x1BF78] =	vst v63  }
0xa3: {  	_ =	swait.ge [sflag:s4], $0x80  }
0xa4: {  	[sflag:s4] =	ssyncset.done $0x0  }
0xa5: {  	[sflag:s4] =	ssyncadd.s32 $0xFFFFFF80  }
0xa6: {  	_ =	swait.ge [sflag:s4], $0x4000  }
0xa7: {  	[sflag:s4] =	ssyncset.done $0x0  }
0xa8: {  	[sflag:s4] =	ssyncadd.s32 $0xFFFFC000  }
0xa9: {  	[spmem:s1] =	stream.indirect.scatter.add.f32 [tilespmem:s29], [sflag:$0x3], $0x80, s28, s28, $0xb8;
	[tilespmem:$0x1BF78] =	vst v63  }
0xaa: {  	_ =	swait.ge [sflag:s31], $0x4000  }
0xab: {  	[sflag:s31] =	ssyncset.done $0x0  }
0xac: {  	[sflag:s31] =	ssyncadd.s32 $0xFFFFC000  }
0xad: {  	[spmem:s2] =	stream.indirect.scatter.add.f32 [tilespmem:s0], [sflag:$0x3], $0x1, s28, s28, $0xb8;
	[tilespmem:$0x1BF78] =	vst v63  }
.Ltmp0:
0xae: {  	_ =	swait.ge [sflag:s31], $0x80;
	(pc) =	sbr.rel @p1 .LBB2_2-.Ltmp0, $4  }
0xaf: {  	[sflag:s31] =	ssyncset.done $0x0  }
0xb0: {  	s18 =	sadd.s32 s18, s24;
	[sflag:s31] =	ssyncadd.s32 $0xFFFFFF80  }
0xb1: {  	[tilespmem:s28], [sflag:$0x2] =	stream.linear.gather [hbm4b:s18+s3], $0x80, $0x38;
	[tilespmem:$0x1BF78] =	vst v63  }
0xb2: {  	s15 =	sadd.s32 $0x100, s15;
	s14 =	sadd.s32 $0x1000, s14  }
0xb3: {  	[tilespmem:s29], [sflag:$0x2] =	stream.linear.gather [hbm4b:s23+s3], $0x4000, $0x38;
	[tilespmem:$0x1BF78] =	vst v63  }
0xb4: {  	_ =	swait.ge [sflag:s30], $0x80  }
0xb5: {  	[sflag:s30] =	ssyncset.done $0x0  }
0xb6: {  	[sflag:s30] =	ssyncadd.s32 $0xFFFFFF80  }
0xb7: {  	_ =	swait.ge [sflag:s30], $0x4000  }
0xb8: {  	[sflag:s30] =	ssyncset.done $0x0  }
0xb9: {  	[sflag:s30] =	ssyncadd.s32 $0xFFFFC000  }
0xba: {  	[spmem:s1] =	stream.indirect.scatter.add.f32 [tilespmem:s26], [sflag:$0x3], $0x80, s3, s28, $0xb8;
	[tilespmem:$0x1BF78] =	vst v63  }
0xbb: {  	_ =	swait.ge [sflag:s31], $0x4000  }
0xbc: {  	[sflag:s31] =	ssyncset.done $0x0  }
0xbd: {  	[sflag:s31] =	ssyncadd.s32 $0xFFFFC000  }
0xbe: {  	[spmem:s2] =	stream.indirect.scatter.add.f32 [tilespmem:s0], [sflag:$0x3], $0x1, s3, s28, $0xb8;
	[tilespmem:$0x1BF78] =	vst v63  }
0xbf: {  	_ =	swait.ge [sflag:s31], $0x80  }
0xc0: {  	[sflag:s31] =	ssyncset.done $0x0  }
0xc1: {  	[sflag:s31] =	ssyncadd.s32 $0xFFFFFF80  }
0xc2: {  	_ =	swait.ge [sflag:s4], $0x80  }
0xc3: {  	[sflag:s4] =	ssyncset.done $0x0  }
0xc4: {  	[sflag:s4] =	ssyncadd.s32 $0xFFFFFF80  }
0xc5: {  	_ =	swait.ge [sflag:s4], $0x4000  }
0xc6: {  	[sflag:s4] =	ssyncset.done $0x0  }
0xc7: {  	[sflag:s4] =	ssyncadd.s32 $0xFFFFC000  }
0xc8: {  	[spmem:s1] =	stream.indirect.scatter.add.f32 [tilespmem:s29], [sflag:$0x3], $0x80, s28, s28, $0xb8;
	[tilespmem:$0x1BF78] =	vst v63  }
0xc9: {  	_ =	swait.ge [sflag:s31], $0x4000  }
0xca: {  	[sflag:s31] =	ssyncset.done $0x0  }
0xcb: {  	[sflag:s31] =	ssyncadd.s32 $0xFFFFC000  }
0xcc: {  	[spmem:s2] =	stream.indirect.scatter.add.f32 [tilespmem:s0], [sflag:$0x3], $0x1, s28, s28, $0xb8;
	[tilespmem:$0x1BF78] =	vst v63  }
0xcd: {  	_ =	swait.ge [sflag:s31], $0x80  }
0xce: {  	[sflag:s31] =	ssyncset.done $0x0  }
0xcf: {  	s13 =	rddreg [dreg:$0x10];
	[sflag:s31] =	ssyncadd.s32 $0xFFFFFF80  }
0xd0: {  	[tilespmem:s6], [sflag:$0x3] =	stream.linear.gather [hbm4b:s13+s3], $0x10, $0x38;
	[tilespmem:$0x1BF78] =	vst v63  }
0xd1: {  	_ =	swait.ge [sflag:s31], $0x10  }
0xd2: {  	[sflag:s31] =	ssyncset.done $0x0  }
0xd3: {  	s23 =	rddreg [dreg:$0xb];
	[sflag:s31] =	ssyncadd.s32 $0xFFFFFFF0  }
0xd4: {  	[tilespmem:s26], [sflag:$0x3] =	stream.linear.gather [hbm4b:s23+s3], $0x800, $0x38;
	[tilespmem:$0x1BF78] =	vst v63  }
0xd5: {  	_ =	swait.ge [sflag:s31], $0x800  }
0xd6: {  	[sflag:s31] =	ssyncset.done $0x0  }
0xd7: {  	[sflag:s31] =	ssyncadd.s32 $0xFFFFF800  }
0xd8: {  	[spmem:s1] =	stream.indirect.scatter.add.f32 [tilespmem:s26], [sflag:$0x3], $0x80, s6, s7, $0xb8;
	[tilespmem:$0x1BF78] =	vst v63  }
0xd9: {  	_ =	swait.ge [sflag:s31], $0x800  }
0xda: {  	[sflag:s31] =	ssyncset.done $0x0  }
0xdb: {  	[sflag:s31] =	ssyncadd.s32 $0xFFFFF800  }
0xdc: {  	[spmem:s2] =	stream.indirect.scatter.add.f32 [tilespmem:s0], [sflag:$0x3], $0x1, s6, s7, $0xb8;
	[tilespmem:$0x1BF78] =	vst v63  }
0xdd: {  	_ =	swait.ge [sflag:s31], $0x10  }
0xde: {  	[sflag:s31] =	ssyncset.done $0x0  }
0xdf: {  	[sflag:s31] =	ssyncadd.s32 $0xFFFFFFF0  }
0xe0: {  	s13 =	simm.s32 @p0 $0x1FC3;
	[bflag:$0x0] =	sbarrier.arrive $0xFFFF  }
0xe1: {  	[hbm:s20], [sflag:s13] =	dma.local @p0 [spmem:s12], $0x2800  }
0xe2: {  	s12 =	simm.s32 @p0 $0x3  }
0xe3: {  	_ =	swait.ge @p0 [sflag:s12], $0x2800  }
0xe4: {  	[sflag:s12] =	ssyncset.done @p0 $0x0  }
0xe5: {  	s13 =	simm.s32 @p0 $0x8200;
	[sflag:s12] =	ssyncadd.s32 @p0 $0xFFFFD800  }
0xe6: {  	[tilespmem:s13], [sflag:$0x3] =	stream.linear.gather @p0 [spmem:s16], $0x280, $0x38;
	[tilespmem:$0x1BF78] =	vst v63  }
0xe7: {  	_ =	swait.ge @p0 [sflag:s12], $0x280  }
0xe8: {  	[sflag:s12] =	ssyncset.done @p0 $0x0  }
0xe9: {  	s14 =	simm.s32 @p0 $0x0;
	[sflag:s12] =	ssyncadd.s32 @p0 $0xFFFFFD80  }
0xea: {  	[hbm4b:s21+s14] =	stream.linear.scatter @p0 [tilespmem:s13], [sflag:$0x3], $0x280, $0x38;
	[tilespmem:$0x1BF78] =	vst v63  }
0xeb: {  	_ =	swait.ge @p0 [sflag:s12], $0x280  }
0xec: {  	[sflag:s12] =	ssyncset.done @p0 $0x0  }
0xed: {  	[sflag:s12] =	ssyncadd.s32 @p0 $0xFFFFFD80;
	s12 =	rddreg [dreg:$0x9]  }
0xee: {  	[hbm:s12], [sflag:s10] =	dma.local @!p0 [spmem:s11], $0x2700  }
0xef: {  	s10 =	simm.s32 @!p0 $0x3  }
0xf0: {  	_ =	swait.ge @!p0 [sflag:s10], $0x2700  }
0xf1: {  	[sflag:s10] =	ssyncset.done @!p0 $0x0  }
0xf2: {  	s11 =	simm.s32 @!p0 $0x8200;
	[sflag:s10] =	ssyncadd.s32 @!p0 $0xFFFFD900  }
0xf3: {  	[tilespmem:s11], [sflag:$0x3] =	stream.linear.gather @!p0 [spmem:s8], $0x270, $0x38;
	[tilespmem:$0x1BF78] =	vst v63  }
0xf4: {  	s9 =	sadd.s32 $0x1, s9;
	_ =	swait.ge @!p0 [sflag:s10], $0x270  }
0xf5: {  	p1 =	sne.s32 s9, s22;
	s12 =	simm.s32 @!p0 $0x0;
	[sflag:s10] =	ssyncset.done @!p0 $0x0  }
.Ltmp1:
0xf6: {  	s13 =	rddreg [dreg:$0xa];
	[sflag:s10] =	ssyncadd.s32 @!p0 $0xFFFFFD90;
	(pc) =	sbr.rel @p1 .LBB2_1-.Ltmp1, $4  }
0xf7: {  	[hbm4b:s13+s12] =	stream.linear.scatter @!p0 [tilespmem:s11], [sflag:$0x3], $0x270, $0x38;
	[tilespmem:$0x1BF78] =	vst v63  }
0xf8: {  	_ =	swait.ge @!p0 [sflag:s10], $0x270  }
0xf9: {  	[sflag:s10] =	ssyncset.done @!p0 $0x0  }
0xfa: {  	[sflag:s10] =	ssyncadd.s32 @!p0 $0xFFFFFD90  }
0xfb: {  	_ =	sfence.sel $0x180000  }
0xfc: {  	[bflag:$0x0] =	sbarrier.arrive $0xFFFF  }
0xfd: {  	_ =	strace $0x9000004A  }
0xfe: {  	s0 =	stileid.u32;
	[bflag:$0x2] =	sbarrier.arrive $0xFFFF  }
0xff: {  	p0 =	sne.s32 s0, $0x0;
	s0 =	rddreg [dreg:$0x4]  }
0x100: {  	s0 =	sadd.s32 @!p0 $0x100000, s0  }
0x101: {  	[sflag:s0] =	ssyncadd.tile.s32 @!p0 $0x1;
	_ =	shalt  }
.Lfunc_end2:
_tile_overlayer_lowered:
.L_overlay_start_2:
0x102: {  	(tag) =	ssettag $0x2  }
0x103: {  	s0 =	rddreg [dreg:$0x0];
	s2 =	stileid.u32  }
0x104: {  	s1 =	rddreg [dreg:$0x1];
	p0 =	sne.s32 s2, $0x0  }
0x105: {  	s3 =	rddreg [dreg:$0x2];
	[bflag:$0x3] =	sbarrier.arrive $0xFFFF;
	s2 =	simm.s32 @!p0 $0x1C03  }
0x106: {  	[timem:s3], [sflag:s2] =	dma.local @!p0 [hbm:s0], s1  }
0x107: {  	s0 =	simm.s32 @!p0 $0x3  }
0x108: {  	_ =	swait.ge @!p0 [sflag:s0], s1  }
0x109: {  	s1 =	ssub.s32 @!p0 $0x0, s1;
	[sflag:s0] =	ssyncset.done @!p0 $0x0  }
0x10a: {  	[sflag:s0] =	ssyncadd.s32 @!p0 s1  }
0x10b: {  	[bflag:$0x3] =	sbarrier.arrive $0xFFFF  }
0x10c: {  	_ =	shalt  }

// kernel: kernel.8.cloned.1.call-start
scs
__scs_entry_jumppad:
0x0: {  	(pc) =	sbr.rel $0x88, $3  }
0x1: {  	(tag) =	ssettag $0x0;
	lr =	simm.s32 $0x1  }
0x2: {  	[smem:$0x3F96] =	sst lr;
	_ =	strace $0xD0000000  }
0x3: {  	_ = 	snop  }
0x4: {  	_ = 	snop  }
0x5: {  	_ = 	snop  }
0x6: {  	_ = 	snop  }
0x7: {  	_ = 	snop  }
__scs_overlays_trampoline_lowered:
0x8: {  	[smem:$0x3FA5] =	sst s0  }
0x9: {  	[smem:$0x3FA6] =	sst s1  }
0xa: {  	[smem:$0x3FA7] =	sst s2  }
0xb: {  	[smem:$0x3FA8] =	sst s3  }
0xc: {  	[smem:$0x3FA9] =	sst s4  }
0xd: {  	[smem:$0x3FAA] =	sst s5  }
0xe: {  	[smem:$0x3FAB] =	sst s6  }
0xf: {  	[smem:$0x3FAC] =	sst s7  }
0x10: {  	[smem:$0x3FAD] =	sst s8  }
0x11: {  	[smem:$0x3FAE] =	sst s9;
	s0 =	simm.s32 @!p0 $0x0  }
0x12: {  	s1 =	sld [smem:$0x3F94];
	s0 =	simm.s32 @p0 $0x1  }
0x13: {  	[smem:$0x3FAF] =	sst s0;
	s0 =	simm.s32 @!p1 $0x0  }
0x14: {  	s2 =	sld [smem:$0x3F93];
	s0 =	simm.s32 @p1 $0x1  }
0x15: {  	[smem:$0x3FB0] =	sst s0;
	s0 =	simm.s32 @!p2 $0x0  }
0x16: {  	s3 =	sld [smem:$0x3FDB];
	s0 =	simm.s32 @p2 $0x1  }
0x17: {  	s4 =	simm.s32 $0x1BF5;
	[smem:$0x3FB2] =	sst s0  }
0x18: {  	s0 =	sld [smem:$0x3F95];
	_ =	swait.ge [sflag:s4], $0x0  }
0x19: {  	s7 =	sld [smem:$0x3F96]  }
0x1a: {  	s8 =	sadd.s32 $0xFFFFE003, lr  }
0x1b: {  	s9 =	sadd.s32 $0xFFFFFEF7, lr;
	s5 =	simm.s32 $0xFFFFFFFF;
	p2 =	slt.u32 s8, $0xFFFFF086  }
0x1c: {  	p1 =	slt.u32 s9, $0xF7A;
	s5 =	simm.s32 @!p2 $0x0  }
0x1d: {  	s5 =	simm.s32 @p1 $0x1;
	p0 =	seq.s32 s7, s2  }
0x1e: {  	s7 =	smul.u32 @!p0 $0xF7A, s2;
	p2 =	seq.s32 @!p0 s5, $0x0  }
0x1f: {  	s9 =	smul.u32 $0xF7A, s1;
	s8 =	simm.s32 @!p0 $0x1BF5;
	p2 =	por !p2, p0  }
0x20: {  	[sflag:s8] =	ssyncset.s32 @!p0 $0xFFFFF086;
	s6 =	sadd.s32 @!p0 s3, s7;
	s7 =	simm.s32 @!p0 $0x108  }
0x21: {  	s3 =	sadd.s32 s3, s9;
	s6 =	sadd.s32 @!p0 $0x88, s6;
	s7 =	simm.s32 @p2 $0x1082  }
0x22: {  	[simem:s7], [sflag:s8] =	dma.local @!p0 [hbm:s6], $0xF7A  }
0x23: {  	s9 =	sor.u32 $0xD0000000, s2;
	s6 =	simm.s32 $0x108;
	_ =	swait.ge @!p0 [sflag:s8], $0x0  }
0x24: {  	s3 =	sadd.s32 $0x88, s3;
	s6 =	simm.s32 @!p1 $0x1082;
	[sflag:s4] =	ssyncset.s32 $0xFFFFF086  }
0x25: {  	[simem:s6], [sflag:s4] =	dma.local [hbm:s3], $0xF7A  }
0x26: {  	[smem:$0x3F96] =	sst s1;
	(tag) =	ssettag s2;
	_ =	strace s9  }
0x27: {  	s1 =	sld [smem:$0x3FA6]  }
0x28: {  	s2 =	sld [smem:$0x3FA7]  }
0x29: {  	s4 =	sld [smem:$0x3FA9]  }
0x2a: {  	p0 =	seq.s32 s5, $0x0;
	s5 =	sld [smem:$0x3FAA]  }
0x2b: {  	s6 =	sld [smem:$0x3FAB]  }
0x2c: {  	s7 =	sld [smem:$0x3FAC]  }
0x2d: {  	s3 =	simm.s32 $0x108;
	s8 =	sld [smem:$0x3FAD]  }
0x2e: {  	s3 =	simm.s32 @!p0 $0x1082;
	s9 =	sld [smem:$0x3FAE]  }
0x2f: {  	lr =	sadd.s32 s0, s3;
	s0 =	sld [smem:$0x3FA5]  }
0x30: {  	s3 =	sld [smem:$0x3FA8]  }
0x31: {  	[smem:$0x3FB1] =	sst s10  }
0x32: {  	s10 =	sld [smem:$0x3FAF];
	_ =	sdelay $0x3  }
0x33: {  	p0 =	seq.s32 s10, $0x1;
	s10 =	sld [smem:$0x3FB1];
	_ =	sdelay $0x3  }
0x34: {  	[smem:$0x3FB1] =	sst s10  }
0x35: {  	s10 =	sld [smem:$0x3FB0];
	_ =	sdelay $0x3  }
0x36: {  	p1 =	seq.s32 s10, $0x1;
	s10 =	sld [smem:$0x3FB1];
	_ =	sdelay $0x3  }
0x37: {  	[smem:$0x3FB1] =	sst s10  }
0x38: {  	s10 =	sld [smem:$0x3FB2]  }
0x39: {  	_ = 	snop;
	(pc) =	sbr.ind lr, $3  }
0x3a: {  	_ = 	snop  }
0x3b: {  	_ = 	snop  }
0x3c: {  	p2 =	seq.s32 s10, $0x1;
	s10 =	sld [smem:$0x3FB1]  }
0x3d: {  	_ =	shalt  }
0x3e: {  	_ =	shalt  }
0x3f: {  	_ =	shalt  }
0x40: {  	_ =	shalt  }
0x41: {  	_ =	shalt  }
0x42: {  	_ =	shalt  }
0x43: {  	_ =	shalt  }
0x44: {  	_ =	shalt  }
0x45: {  	_ =	shalt  }
0x46: {  	_ =	shalt  }
0x47: {  	_ =	shalt  }
0x48: {  	_ =	shalt  }
0x49: {  	_ =	shalt  }
0x4a: {  	_ =	shalt  }
0x4b: {  	_ =	shalt  }
0x4c: {  	_ =	shalt  }
0x4d: {  	_ =	shalt  }
0x4e: {  	_ =	shalt  }
0x4f: {  	_ =	shalt  }
0x50: {  	_ =	shalt  }
0x51: {  	_ =	shalt  }
0x52: {  	_ =	shalt  }
0x53: {  	_ =	shalt  }
0x54: {  	_ =	shalt  }
0x55: {  	_ =	shalt  }
0x56: {  	_ =	shalt  }
0x57: {  	_ =	shalt  }
0x58: {  	_ =	shalt  }
0x59: {  	_ =	shalt  }
0x5a: {  	_ =	shalt  }
0x5b: {  	_ =	shalt  }
0x5c: {  	_ =	shalt  }
0x5d: {  	_ =	shalt  }
0x5e: {  	_ =	shalt  }
0x5f: {  	_ =	shalt  }
0x60: {  	_ =	shalt  }
0x61: {  	_ =	shalt  }
0x62: {  	_ =	shalt  }
0x63: {  	_ =	shalt  }
0x64: {  	_ =	shalt  }
0x65: {  	_ =	shalt  }
0x66: {  	_ =	shalt  }
0x67: {  	_ =	shalt  }
0x68: {  	_ =	shalt  }
0x69: {  	_ =	shalt  }
0x6a: {  	_ =	shalt  }
0x6b: {  	_ =	shalt  }
0x6c: {  	_ =	shalt  }
0x6d: {  	_ =	shalt  }
0x6e: {  	_ =	shalt  }
0x6f: {  	_ =	shalt  }
0x70: {  	_ =	shalt  }
0x71: {  	_ =	shalt  }
0x72: {  	_ =	shalt  }
0x73: {  	_ =	shalt  }
0x74: {  	_ =	shalt  }
0x75: {  	_ =	shalt  }
0x76: {  	_ =	shalt  }
0x77: {  	_ =	shalt  }
0x78: {  	_ =	shalt  }
0x79: {  	_ =	shalt  }
0x7a: {  	_ =	shalt  }
0x7b: {  	_ =	shalt  }
0x7c: {  	_ =	shalt  }
0x7d: {  	_ =	shalt  }
0x7e: {  	_ =	shalt  }
0x7f: {  	_ =	shalt  }
0x80: {  	_ =	shalt  }
0x81: {  	_ =	shalt  }
0x82: {  	_ =	shalt  }
0x83: {  	_ =	shalt  }
0x84: {  	_ =	shalt  }
0x85: {  	_ =	shalt  }
0x86: {  	_ =	shalt  }
0x87: {  	_ =	shalt  }
.Lfunc_end0:
.L_simem_size_0:
called_computation_lowered:
.L_overlay_start_0:
0x88: {  	s2 =	sld [smem:$0x3FD9]  }
0x89: {  	s3 =	sld [smem:$0x3FFE];
	_ =	sdelay $0x1  }
0x8a: {  	s1 =	srdreg.scid  }
0x8b: {  	s0 =	sand.u32 $0x1, s1  }
0x8c: {  	s17 =	sshll.u32 s0, $0xA;
	s2 =	sadd.s32 s3, s2  }
0x8d: {  	s2 =	sadd.s32 s2, s17  }
0x8e: {  	[smem:$0x3FBD] =	sst s2  }
0x8f: {  	_ = 	snop  }
0x90: {  	s2 =	sld [smem:$0x3FD0];
	(tm) =	ssettm $0x1  }
0x91: {  	s18 =	sld [smem:$0x3FFB];
	_ =	sdelay $0x3  }
0x92: {  	_ =	strace s18  }
0x93: {  	s3 =	sld [smem:$0x3FFC];
	_ =	sdelay $0x3  }
0x94: {  	_ =	strace s3  }
0x95: {  	s3 =	sld [smem:$0x3FFD];
	_ =	sdelay $0x3  }
0x96: {  	_ =	strace s3  }
0x97: {  	_ =	strace $0x8FFFFFFF  }
0x98: {  	s19 =	sld [smem:$0x3FDB];
	_ =	sdelay $0x1  }
0x99: {  	s4 =	simm.s32 $_scs_section_size  }
0x9a: {  	s5 =	simm.s32 $_size__tile_overlayer_lowered;
	s6 =	simm.s32 $_tile_overlayer_lowered  }
0x9b: {  	s22 =	simm.s32 $0x1BFF;
	s21 =	sshll.u32 s6, $0x1;
	s3 =	sadd.s32 s4, s19  }
0x9c: {  	s7 =	simm.s32 $0x0;
	s20 =	sshll.u32 s5, $0x1;
	s5 =	sadd.s32 s21, s3  }
0x9d: {  	[timem:s7], [sflag:s22] =	dma.local [hbm:s5], s20  }
0x9e: {  	_ =	swait.ge [sflag:s22], s20  }
0x9f: {  	s4 =	ssub.s32 $0x0, s20;
	[sflag:s22] =	ssyncset.done $0x0  }
0xa0: {  	[sflag:s22] =	ssyncadd.s32 s4;
	_ =	sdelay $0x1  }
0xa1: {  	s23 =	simm.s32 $0x1B8B  }
0xa2: {  	_ =	swait.ge [sflag:s23], $0x1  }
0xa3: {  	[sflag:s23] =	ssyncset.done $0x0  }
0xa4: {  	s25 =	simm.s32 $0x1B8E;
	s24 =	sld [smem:$0x3FFE];
	[sflag:s23] =	ssyncadd.s32 $0xFFFFFFFF  }
0xa5: {  	s26 =	simm.s32 $execute0_lowered;
	[smem:$0x3FD2] =	sst s25  }
0xa6: {  	s5 =	sshll.u32 s26, $0x1;
	_ =	strace $0x80000046;
	[dreg:$0x1] =	wrdreg $0xFFFFFFFF  }
0xa7: {  	s28 =	simm.s32 $_size_execute0_lowered;
	s3 =	sadd.s32 s3, s5;
	[dreg:$0x0] =	wrdreg $0x0  }
0xa8: {  	s5 =	sshll.u32 s28, $0x1;
	[dreg:$0x2] =	wrdreg s3  }
0xa9: {  	[dreg:$0x3] =	wrdreg s5  }
0xaa: {  	[dreg:$0x4] =	wrdreg $0xC0  }
0xab: {  	_ =	task [dreg:s7], $0x5FFFF  }
0xac: {  	[dreg:$0x1] =	wrdreg $0xFFFFFFFF  }
0xad: {  	[dreg:$0x0] =	wrdreg $0x60  }
0xae: {  	[dreg:$0x2] =	wrdreg s2  }
0xaf: {  	[dreg:$0x3] =	wrdreg s24  }
0xb0: {  	[dreg:$0x4] =	wrdreg $0x9  }
0xb1: {  	_ =	task.clear_ibuf [dreg:s7], $0x5FFFF;
	_ =	strace $0x90000046  }
0xb2: {  	s29 =	simm.s32 $0x9;
	_ =	strace $0x80000048  }
0xb3: {  	_ =	swait.ge [sflag:s29], $0x1  }
0xb4: {  	[sflag:s29] =	ssyncadd.s32 $0xFFFFFFFF  }
0xb5: {  	_ =	strace $0x90000048  }
0xb6: {  	_ =	sfence  }
0xb7: {  	s30 =	sld [smem:$0x0];
	_ =	sdelay $0x2  }
0xb8: {  	s31 =	sshll.u32 s1, $0xD;
	s1 =	sshrl.u32 s1, $0x2  }
0xb9: {  	s3 =	sand.u32 $0x4000, s31;
	s1 =	sadd.s32 s1, s30  }
0xba: {  	s0 =	sor.u32 s3, s0;
	s1 =	sshll.u32 s1, $0x11  }
0xbb: {  	s0 =	sor.u32 s1, s0  }
0xbc: {  	s0 =	sadd.s32 $0x8F2B, s0  }
0xbd: {  	[sflag:s0] =	ssyncadd.remote.s32 $0x1  }
0xbe: {  	_ =	sfence.sel $0xFFFF  }
0xbf: {  	[dreg:$0x0] =	wrdreg $0xFFFFFFFF;
	(pc) =	sbr.abs _section_cstart, $3  }
0xc0: {  	[dreg:$0x1] =	wrdreg $0xFFFFFFFF  }
0xc1: {  	_ =	task.clear_ibuf [dreg:s7], $0x2FFFF;
	_ =	strace $0x9FFFFFFF  }
0xc2: {  	(tm) =	ssettm $0x7FFFFFFF  }
0xc3: {  	_ =	shalt  }
tec
execute0_lowered:
.L_overlay_start_1:
0x0: {  	(tag) =	ssettag $0x1  }
0x1: {  	s1 =	rddreg [dreg:$0x0]  }
0x2: {  	s0 =	rddreg [dreg:$0x1];
	s3 =	simm.s32 $0x0;
	s2 =	srdreg.scid  }
0x3: {  	s12 =	stileid.u32;
	s13 =	simm.s32 $0x180;
	s14 =	simm.s32 $0x1  }
0x4: {  	s15 =	simm.s32 $0x80;
	s16 =	simm.s32 $0x380;
	s17 =	simm.s32 $0x4380  }
0x5: {  	s18 =	simm.s32 $0x100;
	s19 =	simm.s32 $0x8380;
	s28 =	simm.s32 $0x3  }
0x6: {  	s29 =	simm.s32 $0x300;
	s30 =	simm.s32 $0x5;
	[smem:$0x7FF] =	sst s3  }
0x7: {  	s2 =	sand.u32 $0x1, s2;
	s4 =	sshll.u32 s12, $0x1;
	s8 =	smul.u32 $0x4E20, s12  }
0x8: {  	s26 =	smul.u32 $0x4E200, s12;
	_ =	strace $0x80000047;
	s5 =	sor.u32 s2, s4  }
0x9: {  	s4 =	sadd.s32 $0x3000, s0;
	s6 =	ssub.s32 $0x2, s2;
	s11 =	smul.u32 $0x2710, s2  }
0xa: {  	s0 =	sadd.s32 $0x16C00, s0;
	s5 =	smul.u32 $0x2710, s5;
	s7 =	sshrl.u32 s6, $0x1  }
0xb: {  	s2 =	smul.u32 $0x27100, s2;
	s6 =	ssub.s32 s6, s7;
	s23 =	sadd.s32 s11, s8  }
0xc: {  	s9 =	sshrl.u32 s5, $0x3;
	s10 =	sadd.s32 $0x2700, s5;
	s25 =	sadd.s32 $0x480, s23  }
0xd: {  	s20 =	sadd.s32 s4, s9;
	s21 =	sshrl.u32 s10, $0x3;
	s24 =	sshll.u32 s10, $0x4  }
0xe: {  	s31 =	sshrl.u32 s25, $0x3;
	s9 =	smax.u32 s6, $0x1;
	s25 =	simm.s32 $0x280  }
0xf: {  	[dreg:$0x3] =	wrdreg s20;
	s5 =	sadd.s32 $0x30, s20;
	s22 =	sadd.s32 s4, s21  }
.Ltmp0:
0x10: {  	s8 =	sadd.s32 s0, s24;
	s6 =	sadd.s32 s31, s4;
	(pc) =	sbr.rel .LBB2_1-.Ltmp0, $4  }
0x11: {  	s0 =	sadd.s32 s26, s0;
	s20 =	simm.s32 $0x2;
	s21 =	simm.s32 $0x4  }
0x12: {  	s24 =	simm.s32 $0x10380;
	s26 =	simm.s32 $0x14380;
	[dreg:$0x4] =	wrdreg s5  }
0x13: {  	[dreg:$0x5] =	wrdreg s22;
	s11 =	sadd.s32 s2, s0;
	s2 =	sadd.s32 $0x300, s23  }
0x14: {  	s22 =	simm.s32 $0xC380;
	s23 =	simm.s32 $0x200;
	s0 =	simm.s32 $0x0  }
.LBB2_8:
0x15: {  	_ =	swait.ge [sflag:s28], $0xC000  }
0x16: {  	[sflag:s28] =	ssyncset.done $0x0  }
0x17: {  	[sflag:s28] =	ssyncadd.s32 $0xFFFF4000  }
0x18: {  	_ =	swait.ge [sflag:s21], $0xC000  }
0x19: {  	[sflag:s21] =	ssyncset.done $0x0  }
0x1a: {  	s5 =	rddreg [dreg:$0x5];
	[sflag:s21] =	ssyncadd.s32 $0xFFFF4000  }
0x1b: {  	[tilespmem:s29], [sflag:$0x5] =	stream.linear.gather [hbm4b:s5+s3], $0x10, $0x38;
	[tilespmem:$0x18380] =	vst v63  }
0x1c: {  	_ =	swait.ge [sflag:s30], $0x10  }
0x1d: {  	[sflag:s30] =	ssyncset.done $0x0  }
0x1e: {  	s31 =	simm.s32 $0x10;
	[sflag:s30] =	ssyncadd.s32 $0xFFFFFFF0  }
0x1f: {  	[tilespmem:s16], [sflag:$0x1] =	stream.indirect.gather [hbm4b:s1+s31], $0x80, s29, s31, $0xb8;
	[tilespmem:$0x18380] =	vst v63  }
0x20: {  	s0 =	sadd.s32 $0x1, s0;
	_ =	swait.ge [sflag:s14], $0x800  }
0x21: {  	p0 =	sne.s32 s0, s9;
	[sflag:s14] =	ssyncset.done $0x0  }
.Ltmp1:
0x22: {  	[sflag:s14] =	ssyncadd.s32 $0xFFFFF800;
	(pc) =	sbr.rel @!p0 .LBB2_9-.Ltmp1, $4  }
0x23: {  	[hbm4b:s8+s3] =	stream.linear.scatter [tilespmem:s16], [sflag:$0x5], $0x800, $0x38;
	[tilespmem:$0x18380] =	vst v63  }
0x24: {  	_ =	swait.ge [sflag:s30], $0x800  }
0x25: {  	[sflag:s30] =	ssyncset.done $0x0  }
0x26: {  	[sflag:s30] =	ssyncadd.s32 $0xFFFFF800  }
.LBB2_1:
0x27: {  	s5 =	rddreg [dreg:$0x3]  }
0x28: {  	[tilespmem:s3], [sflag:$0x1] =	stream.linear.gather [hbm4b:s5+s3], $0x180, $0x38;
	[tilespmem:$0x18380] =	vst v63  }
0x29: {  	s12 =	rddreg [dreg:$0x4]  }
0x2a: {  	[tilespmem:s13], [sflag:$0x2] =	stream.linear.gather [hbm4b:s12+s3], $0x180, $0x38;
	[tilespmem:$0x18380] =	vst v63  }
0x2b: {  	s31 =	simm.s32 $0x0;
	s10 =	smov.u32 s6;
	s12 =	smov.u32 s2  }
.LBB2_2:
0x2c: {  	_ =	swait.ge [sflag:s14], $0x180  }
0x2d: {  	p0 =	seq.s32 s31, $0x0;
	[sflag:s14] =	ssyncset.done $0x0  }
0x2e: {  	s7 =	simm.s32 @!p0 $0x3;
	[sflag:s14] =	ssyncadd.s32 $0xFFFFFE80  }
0x2f: {  	_ =	swait.ge @!p0 [sflag:s7], $0xC000  }
0x30: {  	[sflag:s7] =	ssyncset.done @!p0 $0x0  }
0x31: {  	[sflag:s7] =	ssyncadd.s32 @!p0 $0xFFFF4000  }
0x32: {  	[tilespmem:s16], [sflag:$0x1] =	stream.indirect.gather [hbm4b:s1+s15], $0x80, s3, s15, $0xb8;
	[tilespmem:$0x18380] =	vst v63  }
0x33: {  	_ = 	snop  }
0x34: {  	[tilespmem:s17], [sflag:$0x1] =	stream.indirect.gather [hbm4b:s1+s15], $0x80, s15, s15, $0xb8;
	[tilespmem:$0x18380] =	vst v63  }
0x35: {  	_ = 	snop  }
0x36: {  	[tilespmem:s19], [sflag:$0x1] =	stream.indirect.gather [hbm4b:s1+s15], $0x80, s18, s15, $0xb8;
	[tilespmem:$0x18380] =	vst v63  }
0x37: {  	_ =	swait.ge [sflag:s14], $0x4000  }
0x38: {  	[sflag:s14] =	ssyncset.done $0x0  }
0x39: {  	[sflag:s14] =	ssyncadd.s32 $0xFFFFC000  }
0x3a: {  	_ =	swait.ge [sflag:s14], $0x4000  }
0x3b: {  	p1 =	sne.s32 s31, $0x24000;
	[sflag:s14] =	ssyncset.done $0x0  }
.Ltmp2:
0x3c: {  	[sflag:s14] =	ssyncadd.s32 $0xFFFFC000;
	(pc) =	sbr.rel @p1 .LBB2_4-.Ltmp2, $4  }
0x3d: {  	_ =	swait.ge [sflag:s14], $0x4000  }
0x3e: {  	[sflag:s14] =	ssyncset.done $0x0  }
0x3f: {  	s7 =	sadd.s32 s31, s11;
	[sflag:s14] =	ssyncadd.s32 $0xFFFFC000  }
0x40: {  	[hbm4b:s7+s3] =	stream.linear.scatter [tilespmem:s16], [sflag:$0x3], $0xC000, $0x38;
	[tilespmem:$0x18380] =	vst v63  }
.Ltmp3:
0x41: {  	(pc) =	sbr.rel .LBB2_5-.Ltmp3, $4  }
0x42: {  	_ = 	snop  }
0x43: {  	_ =	swait.ge [sflag:s20], $0x180  }
0x44: {  	[sflag:s20] =	ssyncset.done $0x0  }
0x45: {  	[sflag:s20] =	ssyncadd.s32 $0xFFFFFE80  }
.LBB2_4:
0x46: {  	s5 =	sshrl.u32 s12, $0x3  }
.Ltmp4:
0x47: {  	s5 =	sadd.s32 s4, s5;
	(pc) =	sbr.rel @p0 .LBB2_6-.Ltmp4, $4  }
0x48: {  	[tilespmem:s3], [sflag:$0x1] =	stream.linear.gather [hbm4b:s5+s3], $0x180, $0x38;
	[tilespmem:$0x18380] =	vst v63  }
0x49: {  	_ =	swait.ge [sflag:s20], $0x180  }
0x4a: {  	[sflag:s20] =	ssyncset.done $0x0  }
0x4b: {  	[sflag:s20] =	ssyncadd.s32 $0xFFFFFE80  }
.LBB2_5:
0x4c: {  	_ =	swait.ge [sflag:s21], $0xC000  }
0x4d: {  	[sflag:s21] =	ssyncset.done $0x0  }
0x4e: {  	[sflag:s21] =	ssyncadd.s32 $0xFFFF4000  }
.LBB2_6:
0x4f: {  	[tilespmem:s22], [sflag:$0x2] =	stream.indirect.gather [hbm4b:s1+s15], $0x80, s13, s15, $0xb8;
	[tilespmem:$0x18380] =	vst v63  }
0x50: {  	_ = 	snop  }
0x51: {  	[tilespmem:s24], [sflag:$0x2] =	stream.indirect.gather [hbm4b:s1+s15], $0x80, s23, s15, $0xb8;
	[tilespmem:$0x18380] =	vst v63  }
0x52: {  	_ = 	snop  }
0x53: {  	[tilespmem:s26], [sflag:$0x2] =	stream.indirect.gather [hbm4b:s1+s15], $0x80, s25, s15, $0xb8;
	[tilespmem:$0x18380] =	vst v63  }
0x54: {  	_ =	swait.ge [sflag:s20], $0x4000  }
0x55: {  	[sflag:s20] =	ssyncset.done $0x0  }
0x56: {  	[sflag:s20] =	ssyncadd.s32 $0xFFFFC000  }
0x57: {  	_ =	swait.ge [sflag:s20], $0x4000  }
0x58: {  	p0 =	seq.s32 s31, $0x24000;
	[sflag:s20] =	ssyncset.done $0x0  }
.Ltmp5:
0x59: {  	[sflag:s20] =	ssyncadd.s32 $0xFFFFC000;
	(pc) =	sbr.rel @p0 .LBB2_8-.Ltmp5, $4  }
0x5a: {  	_ =	swait.ge [sflag:s20], $0x4000  }
0x5b: {  	[sflag:s20] =	ssyncset.done $0x0  }
0x5c: {  	s5 =	sadd.s32 $0x1800, s7;
	[sflag:s20] =	ssyncadd.s32 $0xFFFFC000  }
0x5d: {  	[hbm4b:s5+s3] =	stream.linear.scatter [tilespmem:s22], [sflag:$0x4], $0xC000, $0x38;
	[tilespmem:$0x18380] =	vst v63  }
.Ltmp6:
0x5e: {  	(pc) =	sbr.rel .LBB2_2-.Ltmp6, $3  }
0x5f: {  	_ =	sdelay $0x1  }
0x60: {  	[tilespmem:s13], [sflag:$0x2] =	stream.linear.gather [hbm4b:s10+s3], $0x180, $0x38;
	[tilespmem:$0x18380] =	vst v63  }
0x61: {  	s10 =	sadd.s32 $0x60, s10;
	s31 =	sadd.s32 $0x3000, s31;
	s12 =	sadd.s32 $0x300, s12  }
.LBB2_9:
0x62: {  	_ =	sfence.sel $0x180000  }
0x63: {  	[bflag:$0x0] =	sbarrier.arrive $0xFFFF  }
0x64: {  	_ =	strace $0x90000047  }
0x65: {  	s0 =	stileid.u32;
	[bflag:$0x2] =	sbarrier.arrive $0xFFFF  }
0x66: {  	p0 =	sne.s32 s0, $0x0;
	s0 =	rddreg [dreg:$0x2]  }
0x67: {  	s0 =	sadd.s32 @!p0 $0x100000, s0  }
0x68: {  	[sflag:s0] =	ssyncadd.tile.s32 @!p0 $0x1;
	_ =	shalt  }
.Lfunc_end2:
_tile_overlayer_lowered:
.L_overlay_start_2:
0x69: {  	(tag) =	ssettag $0x2  }
0x6a: {  	s0 =	rddreg [dreg:$0x0];
	s2 =	stileid.u32  }
0x6b: {  	s1 =	rddreg [dreg:$0x1];
	p0 =	sne.s32 s2, $0x0  }
0x6c: {  	s3 =	rddreg [dreg:$0x2];
	[bflag:$0x3] =	sbarrier.arrive $0xFFFF;
	s2 =	simm.s32 @!p0 $0x1C05  }
0x6d: {  	[timem:s3], [sflag:s2] =	dma.local @!p0 [hbm:s0], s1  }
0x6e: {  	s0 =	simm.s32 @!p0 $0x5  }
0x6f: {  	_ =	swait.ge @!p0 [sflag:s0], s1  }
0x70: {  	s1 =	ssub.s32 @!p0 $0x0, s1;
	[sflag:s0] =	ssyncset.done @!p0 $0x0  }
0x71: {  	[sflag:s0] =	ssyncadd.s32 @!p0 s1  }
0x72: {  	[bflag:$0x3] =	sbarrier.arrive $0xFFFF  }
0x73: {  	_ =	shalt  }

</sc_bundles>
